<compile_context>
chip_gen: v7x
topology: tpu7x:2x2x1
jax: 0.10.2.dev20260603
libtpu: 0.0.44.dev20260713+nightly
codegen_flags: <defaults>
</compile_context>

<pallas_src>
import functools

import jax
import jax.numpy as jnp
from jax import lax
from jax.experimental import pallas as pl
from jax.experimental.pallas import tpu as pltpu
from jax.experimental.pallas import tpu_sc as plsc

_B = 16384
_T = 50
_D = 32
_CH = 128
_V = 1000000


def _make_lookup():
    info = plsc.get_sparse_core_info()
    nc, ns = info.num_cores, info.num_subcores
    nw = nc * ns
    b_per_w = _B // nw
    n_ids = _T * b_per_w
    n_chunks = n_ids // _CH
    n_quads = n_chunks // 4
    ch_per_t = b_per_w // _CH
    mesh = plsc.VectorSubcoreMesh(core_axis_name="c", subcore_axis_name="s")

    @functools.partial(
        pl.kernel,
        out_type=jax.ShapeDtypeStruct((_T * _D, _B), jnp.float32),
        mesh=mesh,
        compiler_params=pltpu.CompilerParams(
            use_tc_tiling_on_sc=False,
            needs_layout_passes=False,
            disable_bounds_checks=True,
        ),
        scratch_types=(
            [pltpu.VMEM((n_ids,), jnp.int32)]
            + [pltpu.VMEM((_CH,), jnp.int32) for _ in range(4)]
            + [pltpu.VMEM((_CH, 4 * _D), jnp.float32) for _ in range(4)]
            + [pltpu.VMEM((_D, _CH), jnp.float32) for _ in range(4)]
            + [pltpu.SemaphoreType.DMA]
            + [pltpu.SemaphoreType.DMA for _ in range(4)]
            + [pltpu.SemaphoreType.DMA for _ in range(4)]
        ),
    )
    def lookup(ids_hbm, packs_hbm, out_hbm, ids_v,
               ipa, ipb, ipc, ipd, bufa, bufb, bufc, bufd,
               oba, obb, obc, obd, sem_i,
               sga, sgb, sgc, sgd, ssa, ssb, ssc, ssd):
        ips = [ipa, ipb, ipc, ipd]
        bufs = [bufa, bufb, bufc, bufd]
        obs = [oba, obb, obc, obd]
        sgs = [sga, sgb, sgc, sgd]
        sss = [ssa, ssb, ssc, ssd]
        wid = lax.axis_index("s") * nc + lax.axis_index("c")
        col0 = wid * b_per_w

        def stage(t, carry):
            pltpu.async_copy(
                ids_hbm.at[pl.ds(t * _B + col0, b_per_w)],
                ids_v.at[pl.ds(t * b_per_w, b_per_w)],
                sem_i,
            )
            return carry

        lax.fori_loop(0, _T, stage, 0)
        pltpu.make_async_copy(ids_hbm.at[pl.ds(0, n_ids)], ids_v, sem_i).wait()

        iota16 = lax.iota(jnp.int32, 16)

        def build_ip(c, ip):
            def k_body(k, carry):
                v = ids_v[pl.ds(c * _CH + k * 16, 16)]
                ip[pl.ds(k * 16, 16)] = v >> 2
                return carry

            lax.fori_loop(0, _CH // 16, k_body, 0)

        def gather(ip, buf, sem):
            pltpu.async_copy(packs_hbm.at[ip], buf, sem)

        def wait_g(ip, buf, sem):
            pltpu.make_async_copy(packs_hbm.at[ip], buf, sem).wait()

        def transpose(c, buf, ob):
            @functools.partial(plsc.parallel_loop, 0, _CH // 16, unroll=8)
            def _(g):
                v = ids_v[pl.ds(c * _CH + g * 16, 16)]
                colb = (v & 3) * _D
                rows = iota16 + g * 16
                for d in range(_D):
                    x = plsc.load_gather(buf, [rows, colb + d])
                    ob[d, pl.ds(g * 16, 16)] = x

        def out_slice(c):
            t = c // ch_per_t
            b0 = col0 + (c % ch_per_t) * _CH
            return out_hbm.at[pl.ds(_D * t, _D), pl.ds(b0, _CH)]

        def store(c, ob, sem):
            pltpu.async_copy(ob, out_slice(c), sem)

        def wait_s(c, ob, sem):
            pltpu.make_async_copy(ob, out_slice(c), sem).wait()

        for k in range(4):
            build_ip(k, ips[k])
            gather(ips[k], bufs[k], sgs[k])

        def body(j, carry):
            c_base = 4 * j
            for k in range(4):
                c = c_base + k
                wait_g(ips[k], bufs[k], sgs[k])

                @pl.when(j > 0)
                def _():
                    wait_s(c - 4, obs[k], sss[k])

                transpose(c, bufs[k], obs[k])
                store(c, obs[k], sss[k])

                @pl.when(j < n_quads - 1)
                def _():
                    build_ip(c + 4, ips[k])
                    gather(ips[k], bufs[k], sgs[k])

            return carry

        lax.fori_loop(0, n_quads, body, 0)
        for k in range(4):
            wait_s(n_chunks - 4 + k, obs[k], sss[k])

    return lookup


_lookup = _make_lookup()


@jax.jit
def kernel(token_ids, emb):
    ids_t_major = token_ids.T.reshape(-1).astype(jnp.int32)
    packs = emb.reshape(_V // 4, 4 * _D)
    out2 = _lookup(ids_t_major, packs)
    return jnp.transpose(out2.reshape(_T, _D, _B), (2, 0, 1))

# --- scband reference (transcript-rebuilt; emitter-appended) ---
"""Pipeline reference for scband-embedding-17463337025895 (READ-ONLY COPY).

The authoritative reference and input builder live on the scoring server;
editing this copy changes nothing except your own understanding.
"""

import jax, jax.numpy as jnp
import numpy as np

NUM_EMBEDDINGS = 1000000
EMBEDDING_DIM = 32

def setup_inputs(seed: int = 0) -> dict:
    key = jax.random.key(seed)
    k_idx, k_emb = jax.random.split(key)
    token_ids = jax.random.randint(k_idx, (16384, 50), 0, NUM_EMBEDDINGS, dtype=jnp.int64 if jax.config.jax_enable_x64 else jnp.int32)
    # truncated normal init, mean=0, std=1.0, a=-3, b=3
    emb = jax.random.truncated_normal(k_emb, -3.0, 3.0, (NUM_EMBEDDINGS, EMBEDDING_DIM), dtype=jnp.float32)
    return {"token_ids": token_ids, "emb": emb}

def reference(token_ids, emb):
    # Faithful translation of: return self.emb[token_ids]
    return jnp.take(emb, token_ids, axis=0)

if __name__ == "__main__":
    import jax
    _d = setup_inputs()
    print(jax.jit(kernel)(*tuple(_d.values())))

</pallas_src>

<mosaic_0001>
#map = affine_map<(d0, d1) -> (0)>
#map1 = affine_map<(d0, d1) -> (0, 0)>
module attributes {stable_mosaic.version = 14 : i64} {
  func.func @lookup(%arg0: i32, %arg1: i32, %arg2: memref<819200xi32, #tpu.memory_space<hbm>>, %arg3: memref<250000x128xf32, #tpu.memory_space<hbm>>, %arg4: memref<1600x16384xf32, #tpu.memory_space<hbm>>, %arg5: memref<25600xi32, #tpu.memory_space<vmem>>, %arg6: memref<128xi32, #tpu.memory_space<vmem>>, %arg7: memref<128xi32, #tpu.memory_space<vmem>>, %arg8: memref<128xi32, #tpu.memory_space<vmem>>, %arg9: memref<128xi32, #tpu.memory_space<vmem>>, %arg10: memref<128x128xf32, #tpu.memory_space<vmem>>, %arg11: memref<128x128xf32, #tpu.memory_space<vmem>>, %arg12: memref<128x128xf32, #tpu.memory_space<vmem>>, %arg13: memref<128x128xf32, #tpu.memory_space<vmem>>, %arg14: memref<32x128xf32, #tpu.memory_space<vmem>>, %arg15: memref<32x128xf32, #tpu.memory_space<vmem>>, %arg16: memref<32x128xf32, #tpu.memory_space<vmem>>, %arg17: memref<32x128xf32, #tpu.memory_space<vmem>>, %arg18: memref<!tpu.dma_semaphore, #tpu.memory_space<semaphore_mem>>, %arg19: memref<!tpu.dma_semaphore, #tpu.memory_space<semaphore_mem>>, %arg20: memref<!tpu.dma_semaphore, #tpu.memory_space<semaphore_mem>>, %arg21: memref<!tpu.dma_semaphore, #tpu.memory_space<semaphore_mem>>, %arg22: memref<!tpu.dma_semaphore, #tpu.memory_space<semaphore_mem>>, %arg23: memref<!tpu.dma_semaphore, #tpu.memory_space<semaphore_mem>>, %arg24: memref<!tpu.dma_semaphore, #tpu.memory_space<semaphore_mem>>, %arg25: memref<!tpu.dma_semaphore, #tpu.memory_space<semaphore_mem>>, %arg26: memref<!tpu.dma_semaphore, #tpu.memory_space<semaphore_mem>>) attributes {dimension_semantics = [#tpu.dimension_semantics<core_parallel>, #tpu.dimension_semantics<subcore_parallel>], iteration_bounds = array<i64: 2, 16>, scalar_prefetch = 0 : i64, scratch_operands = 22 : i64, tpu.core_type = #tpu.core_type<sc_vector_subcore>, window_params = [{transform_indices = #map}, {transform_indices = #map1}, {transform_indices = #map1}]} {
    %mul3A = arith.constant 2 : i32
    %mul3A_0 = arith.muli %arg1, %mul3A : i32
    %add3A = arith.addi %mul3A_0, %arg0 : i32
    %mul3A_1 = arith.constant 512 : i32
    %mul3A_2 = arith.muli %add3A, %mul3A_1 : i32
    %scan3A = arith.constant 0 : i32
    %scan3A_3 = arith.constant 0 : i32
    %scan3A_4 = arith.constant 50 : i32
    %scan3A_5 = arith.addi %scan3A_3, %scan3A_4 : i32
    %scan3A_6 = arith.constant 1 : i32
    scf.for %scan3A_76 = %scan3A_3 to %scan3A_5 step %scan3A_6  : i32 {
      %mul3A_77 = arith.constant 16384 : i32
      %mul3A_78 = arith.muli %scan3A_76, %mul3A_77 : i32
      %add3A_79 = arith.addi %mul3A_78, %mul3A_2 : i32
      %mul3A_80 = arith.constant 512 : i32
      %mul3A_81 = arith.muli %scan3A_76, %mul3A_80 : i32
      %dma_start3A_82 = tpu.memref_slice %arg5[%mul3A_81] : memref<25600xi32, #tpu.memory_space<vmem>> -> memref<512xi32, #tpu.memory_space<vmem>>
      %dma_start3A_83 = tpu.memref_slice %arg2[%add3A_79] : memref<819200xi32, #tpu.memory_space<hbm>> -> memref<512xi32, #tpu.memory_space<hbm>>
      %dma_start3A_84 = tpu.memref_slice %arg5[%mul3A_81] : memref<25600xi32, #tpu.memory_space<vmem>> -> memref<512xi32, #tpu.memory_space<vmem>>
      %dma_start3A_85 = tpu.memref_slice %arg2[%add3A_79] : memref<819200xi32, #tpu.memory_space<hbm>> -> memref<512xi32, #tpu.memory_space<hbm>>
      tpu.enqueue_dma source(%dma_start3A_85 : memref<512xi32, #tpu.memory_space<hbm>>) target(%dma_start3A_84 : memref<512xi32, #tpu.memory_space<vmem>>) target_semaphore(%arg18 : memref<!tpu.dma_semaphore, #tpu.memory_space<semaphore_mem>>)
    }
    %scan3A_7 = arith.constant 50 : i32
    %dma_wait3A = arith.constant 0 : i32
    %dma_wait3A_8 = tpu.memref_slice %arg2[%dma_wait3A] : memref<819200xi32, #tpu.memory_space<hbm>> -> memref<25600xi32, #tpu.memory_space<hbm>>
    %dma_wait3A_9 = arith.constant 0 : i32
    %dma_wait3A_10 = tpu.memref_slice %arg2[%dma_wait3A_9] : memref<819200xi32, #tpu.memory_space<hbm>> -> memref<25600xi32, #tpu.memory_space<hbm>>
    tpu.wait_dma2 semaphore(%arg18 : memref<!tpu.dma_semaphore, #tpu.memory_space<semaphore_mem>>) src(%dma_wait3A_10 : memref<25600xi32, #tpu.memory_space<hbm>>) dst(%arg5 : memref<25600xi32, #tpu.memory_space<vmem>>)
    %iota3A = tpu.iota {dimensions = array<i32: 0>} : vector<16xi32>
    %scan3A_11 = arith.constant 0 : i32
    %scan3A_12 = arith.constant 0 : i32
    %scan3A_13 = arith.constant 8 : i32
    %scan3A_14 = arith.addi %scan3A_12, %scan3A_13 : i32
    %scan3A_15 = arith.constant 1 : i32
    scf.for %scan3A_76 = %scan3A_12 to %scan3A_14 step %scan3A_15  : i32 {
      %mul3A_77 = arith.constant 16 : i32
      %mul3A_78 = arith.muli %scan3A_76, %mul3A_77 : i32
      %add3A_79 = arith.constant 0 : i32
      %add3A_80 = arith.addi %add3A_79, %mul3A_78 : i32
      %get3A = arith.index_cast %add3A_80 : i32 to index
      %get3A_81 = tpu.vector_load %arg5[%get3A] {strides = array<i32>} : memref<25600xi32, #tpu.memory_space<vmem>>, vector<16xi32>,
      %shift_right_arithmetic3A = arith.constant 2 : i32
      %shift_right_arithmetic3A_82 = vector.broadcast %shift_right_arithmetic3A : i32 to vector<16xi32>
      %shift_right_arithmetic3A_83 = arith.shrsi %get3A_81, %shift_right_arithmetic3A_82 : vector<16xi32>
      %mul3A_84 = arith.constant 16 : i32
      %mul3A_85 = arith.muli %scan3A_76, %mul3A_84 : i32
      %swap3A = arith.index_cast %mul3A_85 : i32 to index
      %swap3A_86 = tpu.vector_load %arg6[%swap3A] {strides = array<i32>} : memref<128xi32, #tpu.memory_space<vmem>>, vector<16xi32>,
      tpu.vector_store %arg6[%swap3A], %shift_right_arithmetic3A_83 {strides = array<i32>} : memref<128xi32, #tpu.memory_space<vmem>>, vector<16xi32>,
    }
    %scan3A_16 = arith.constant 8 : i32
    %dma_start3A = arith.constant 0 : i32
    %dma_start3A_17 = arith.constant 0 : i32
    %dma_start3A_18 = tpu.memref_slice %arg3[%dma_start3A, %dma_start3A_17] : memref<250000x128xf32, #tpu.memory_space<hbm>> -> memref<250000x128xf32, #tpu.memory_space<hbm>>
    tpu.enqueue_indirect_dma source(%dma_start3A_18 : memref<250000x128xf32, #tpu.memory_space<hbm>>) target(%arg10 : memref<128x128xf32, #tpu.memory_space<vmem>>) offsets(%arg6 : memref<128xi32, #tpu.memory_space<vmem>>) semaphore(%arg19 : memref<!tpu.dma_semaphore, #tpu.memory_space<semaphore_mem>>)
    %scan3A_19 = arith.constant 0 : i32
    %scan3A_20 = arith.constant 0 : i32
    %scan3A_21 = arith.constant 8 : i32
    %scan3A_22 = arith.addi %scan3A_20, %scan3A_21 : i32
    %scan3A_23 = arith.constant 1 : i32
    scf.for %scan3A_76 = %scan3A_20 to %scan3A_22 step %scan3A_23  : i32 {
      %mul3A_77 = arith.constant 16 : i32
      %mul3A_78 = arith.muli %scan3A_76, %mul3A_77 : i32
      %add3A_79 = arith.constant 128 : i32
      %add3A_80 = arith.addi %add3A_79, %mul3A_78 : i32
      %get3A = arith.index_cast %add3A_80 : i32 to index
      %get3A_81 = tpu.vector_load %arg5[%get3A] {strides = array<i32>} : memref<25600xi32, #tpu.memory_space<vmem>>, vector<16xi32>,
      %shift_right_arithmetic3A = arith.constant 2 : i32
      %shift_right_arithmetic3A_82 = vector.broadcast %shift_right_arithmetic3A : i32 to vector<16xi32>
      %shift_right_arithmetic3A_83 = arith.shrsi %get3A_81, %shift_right_arithmetic3A_82 : vector<16xi32>
      %mul3A_84 = arith.constant 16 : i32
      %mul3A_85 = arith.muli %scan3A_76, %mul3A_84 : i32
      %swap3A = arith.index_cast %mul3A_85 : i32 to index
      %swap3A_86 = tpu.vector_load %arg7[%swap3A] {strides = array<i32>} : memref<128xi32, #tpu.memory_space<vmem>>, vector<16xi32>,
      tpu.vector_store %arg7[%swap3A], %shift_right_arithmetic3A_83 {strides = array<i32>} : memref<128xi32, #tpu.memory_space<vmem>>, vector<16xi32>,
    }
    %scan3A_24 = arith.constant 8 : i32
    %dma_start3A_25 = arith.constant 0 : i32
    %dma_start3A_26 = arith.constant 0 : i32
    %dma_start3A_27 = tpu.memref_slice %arg3[%dma_start3A_25, %dma_start3A_26] : memref<250000x128xf32, #tpu.memory_space<hbm>> -> memref<250000x128xf32, #tpu.memory_space<hbm>>
    tpu.enqueue_indirect_dma source(%dma_start3A_27 : memref<250000x128xf32, #tpu.memory_space<hbm>>) target(%arg11 : memref<128x128xf32, #tpu.memory_space<vmem>>) offsets(%arg7 : memref<128xi32, #tpu.memory_space<vmem>>) semaphore(%arg20 : memref<!tpu.dma_semaphore, #tpu.memory_space<semaphore_mem>>)
    %scan3A_28 = arith.constant 0 : i32
    %scan3A_29 = arith.constant 0 : i32
    %scan3A_30 = arith.constant 8 : i32
    %scan3A_31 = arith.addi %scan3A_29, %scan3A_30 : i32
    %scan3A_32 = arith.constant 1 : i32
    scf.for %scan3A_76 = %scan3A_29 to %scan3A_31 step %scan3A_32  : i32 {
      %mul3A_77 = arith.constant 16 : i32
      %mul3A_78 = arith.muli %scan3A_76, %mul3A_77 : i32
      %add3A_79 = arith.constant 256 : i32
      %add3A_80 = arith.addi %add3A_79, %mul3A_78 : i32
      %get3A = arith.index_cast %add3A_80 : i32 to index
      %get3A_81 = tpu.vector_load %arg5[%get3A] {strides = array<i32>} : memref<25600xi32, #tpu.memory_space<vmem>>, vector<16xi32>,
      %shift_right_arithmetic3A = arith.constant 2 : i32
      %shift_right_arithmetic3A_82 = vector.broadcast %shift_right_arithmetic3A : i32 to vector<16xi32>
      %shift_right_arithmetic3A_83 = arith.shrsi %get3A_81, %shift_right_arithmetic3A_82 : vector<16xi32>
      %mul3A_84 = arith.constant 16 : i32
      %mul3A_85 = arith.muli %scan3A_76, %mul3A_84 : i32
      %swap3A = arith.index_cast %mul3A_85 : i32 to index
      %swap3A_86 = tpu.vector_load %arg8[%swap3A] {strides = array<i32>} : memref<128xi32, #tpu.memory_space<vmem>>, vector<16xi32>,
      tpu.vector_store %arg8[%swap3A], %shift_right_arithmetic3A_83 {strides = array<i32>} : memref<128xi32, #tpu.memory_space<vmem>>, vector<16xi32>,
    }
    %scan3A_33 = arith.constant 8 : i32
    %dma_start3A_34 = arith.constant 0 : i32
    %dma_start3A_35 = arith.constant 0 : i32
    %dma_start3A_36 = tpu.memref_slice %arg3[%dma_start3A_34, %dma_start3A_35] : memref<250000x128xf32, #tpu.memory_space<hbm>> -> memref<250000x128xf32, #tpu.memory_space<hbm>>
    tpu.enqueue_indirect_dma source(%dma_start3A_36 : memref<250000x128xf32, #tpu.memory_space<hbm>>) target(%arg12 : memref<128x128xf32, #tpu.memory_space<vmem>>) offsets(%arg8 : memref<128xi32, #tpu.memory_space<vmem>>) semaphore(%arg21 : memref<!tpu.dma_semaphore, #tpu.memory_space<semaphore_mem>>)
    %scan3A_37 = arith.constant 0 : i32
    %scan3A_38 = arith.constant 0 : i32
    %scan3A_39 = arith.constant 8 : i32
    %scan3A_40 = arith.addi %scan3A_38, %scan3A_39 : i32
    %scan3A_41 = arith.constant 1 : i32
    scf.for %scan3A_76 = %scan3A_38 to %scan3A_40 step %scan3A_41  : i32 {
      %mul3A_77 = arith.constant 16 : i32
      %mul3A_78 = arith.muli %scan3A_76, %mul3A_77 : i32
      %add3A_79 = arith.constant 384 : i32
      %add3A_80 = arith.addi %add3A_79, %mul3A_78 : i32
      %get3A = arith.index_cast %add3A_80 : i32 to index
      %get3A_81 = tpu.vector_load %arg5[%get3A] {strides = array<i32>} : memref<25600xi32, #tpu.memory_space<vmem>>, vector<16xi32>,
      %shift_right_arithmetic3A = arith.constant 2 : i32
      %shift_right_arithmetic3A_82 = vector.broadcast %shift_right_arithmetic3A : i32 to vector<16xi32>
      %shift_right_arithmetic3A_83 = arith.shrsi %get3A_81, %shift_right_arithmetic3A_82 : vector<16xi32>
      %mul3A_84 = arith.constant 16 : i32
      %mul3A_85 = arith.muli %scan3A_76, %mul3A_84 : i32
      %swap3A = arith.index_cast %mul3A_85 : i32 to index
      %swap3A_86 = tpu.vector_load %arg9[%swap3A] {strides = array<i32>} : memref<128xi32, #tpu.memory_space<vmem>>, vector<16xi32>,
      tpu.vector_store %arg9[%swap3A], %shift_right_arithmetic3A_83 {strides = array<i32>} : memref<128xi32, #tpu.memory_space<vmem>>, vector<16xi32>,
    }
    %scan3A_42 = arith.constant 8 : i32
    %dma_start3A_43 = arith.constant 0 : i32
    %dma_start3A_44 = arith.constant 0 : i32
    %dma_start3A_45 = tpu.memref_slice %arg3[%dma_start3A_43, %dma_start3A_44] : memref<250000x128xf32, #tpu.memory_space<hbm>> -> memref<250000x128xf32, #tpu.memory_space<hbm>>
    tpu.enqueue_indirect_dma source(%dma_start3A_45 : memref<250000x128xf32, #tpu.memory_space<hbm>>) target(%arg13 : memref<128x128xf32, #tpu.memory_space<vmem>>) offsets(%arg9 : memref<128xi32, #tpu.memory_space<vmem>>) semaphore(%arg22 : memref<!tpu.dma_semaphore, #tpu.memory_space<semaphore_mem>>)
    %scan3A_46 = arith.constant 0 : i32
    %scan3A_47 = arith.constant 0 : i32
    %scan3A_48 = arith.constant 50 : i32
    %scan3A_49 = arith.addi %scan3A_47, %scan3A_48 : i32
    %scan3A_50 = arith.constant 1 : i32
    scf.for %scan3A_76 = %scan3A_47 to %scan3A_49 step %scan3A_50  : i32 {
      %mul3A_77 = arith.constant 4 : i32
      %mul3A_78 = arith.muli %mul3A_77, %scan3A_76 : i32
      %add3A_79 = arith.constant 0 : i32
      %add3A_80 = arith.addi %mul3A_78, %add3A_79 : i32
      %dma_wait3A_81 = arith.constant 0 : i32
      %dma_wait3A_82 = arith.constant 0 : i32
      %dma_wait3A_83 = tpu.memref_slice %arg3[%dma_wait3A_81, %dma_wait3A_82] : memref<250000x128xf32, #tpu.memory_space<hbm>> -> memref<250000x128xf32, #tpu.memory_space<hbm>>
      tpu.wait_indirect_dma semaphore(%arg19 : memref<!tpu.dma_semaphore, #tpu.memory_space<semaphore_mem>>) src(%dma_wait3A_83 : memref<250000x128xf32, #tpu.memory_space<hbm>>) dst(%arg10 : memref<128x128xf32, #tpu.memory_space<vmem>>)
      %gt3A = arith.constant 0 : i32
      %gt3A_84 = arith.cmpi sgt, %scan3A_76, %gt3A : i32
      %convert_element_type3A = arith.extui %gt3A_84 : i1 to i32
      %cond3A = arith.constant 0 : i32
      %cond3A_85 = arith.cmpi ne, %convert_element_type3A, %cond3A : i32
      scf.if %cond3A_85 {
        %sub3A_314 = arith.constant 4 : i32
        %sub3A_315 = arith.subi %add3A_80, %sub3A_314 : i32
        %jit3A_316 = arith.constant 4 : i32
        %div3A_317 = arith.divsi %sub3A_315, %jit3A_316 : i32
        %sign3A_318 = arith.constant 0 : i32
        %sign3A_319 = arith.cmpi sgt, %sub3A_315, %sign3A_318 : i32
        %sign3A_320 = arith.extui %sign3A_319 : i1 to i32
        %sign3A_321 = arith.constant 0 : i32
        %sign3A_322 = arith.cmpi slt, %sub3A_315, %sign3A_321 : i32
        %sign3A_323 = arith.extui %sign3A_322 : i1 to i32
        %sign3A_324 = arith.subi %sign3A_320, %sign3A_323 : i32
        %sign3A_325 = arith.constant 0 : i32
        %sign3A_326 = arith.cmpi sgt, %jit3A_316, %sign3A_325 : i32
        %sign3A_327 = arith.extui %sign3A_326 : i1 to i32
        %sign3A_328 = arith.constant 0 : i32
        %sign3A_329 = arith.cmpi slt, %jit3A_316, %sign3A_328 : i32
        %sign3A_330 = arith.extui %sign3A_329 : i1 to i32
        %sign3A_331 = arith.subi %sign3A_327, %sign3A_330 : i32
        %ne3A_332 = arith.cmpi ne, %sign3A_324, %sign3A_331 : i32
        %rem3A_333 = arith.remsi %sub3A_315, %jit3A_316 : i32
        %ne3A_334 = arith.constant 0 : i32
        %ne3A_335 = arith.cmpi ne, %rem3A_333, %ne3A_334 : i32
        %and3A_336 = arith.andi %ne3A_332, %ne3A_335 : i1
        %sub3A_337 = arith.constant 1 : i32
        %sub3A_338 = arith.subi %div3A_317, %sub3A_337 : i32
        %select_n3A_339 = arith.select %and3A_336, %sub3A_338, %div3A_317 : i32
        %jit3A_340 = arith.constant 4 : i32
        %eq3A_341 = arith.constant 0 : i32
        %eq3A_342 = arith.cmpi eq, %jit3A_340, %eq3A_341 : i32
        %jit3A_343 = arith.constant 1 : i32
        %select_n3A_344 = arith.select %eq3A_342, %jit3A_343, %jit3A_340 : i32
        %rem3A_345 = arith.remsi %sub3A_315, %select_n3A_344 : i32
        %ne3A_346 = arith.constant 0 : i32
        %ne3A_347 = arith.cmpi ne, %rem3A_345, %ne3A_346 : i32
        %lt3A_348 = arith.constant 0 : i32
        %lt3A_349 = arith.cmpi slt, %rem3A_345, %lt3A_348 : i32
        %lt3A_350 = arith.constant 0 : i32
        %lt3A_351 = arith.cmpi slt, %select_n3A_344, %lt3A_350 : i32
        %ne3A_352 = arith.xori %lt3A_349, %lt3A_351 : i1
        %and3A_353 = arith.andi %ne3A_352, %ne3A_347 : i1
        %add3A_354 = arith.addi %rem3A_345, %select_n3A_344 : i32
        %select_n3A_355 = arith.select %and3A_353, %add3A_354, %rem3A_345 : i32
        %mul3A_356 = arith.constant 128 : i32
        %mul3A_357 = arith.muli %select_n3A_355, %mul3A_356 : i32
        %add3A_358 = arith.addi %mul3A_2, %mul3A_357 : i32
        %mul3A_359 = arith.constant 32 : i32
        %mul3A_360 = arith.muli %mul3A_359, %select_n3A_339 : i32
        %dma_wait3A_361 = tpu.memref_slice %arg4[%mul3A_360, %add3A_358] : memref<1600x16384xf32, #tpu.memory_space<hbm>> -> memref<32x128xf32, #tpu.memory_space<hbm>>
        %dma_wait3A_362 = tpu.memref_slice %arg4[%mul3A_360, %add3A_358] : memref<1600x16384xf32, #tpu.memory_space<hbm>> -> memref<32x128xf32, #tpu.memory_space<hbm>>
        tpu.wait_dma2 semaphore(%arg23 : memref<!tpu.dma_semaphore, #tpu.memory_space<semaphore_mem>>) src(%arg14 : memref<32x128xf32, #tpu.memory_space<vmem>>) dst(%dma_wait3A_362 : memref<32x128xf32, #tpu.memory_space<hbm>>)
      } else {
      }
      %jit3A = arith.constant 4 : i32
      %div3A = arith.divsi %add3A_80, %jit3A : i32
      %sign3A = arith.constant 0 : i32
      %sign3A_86 = arith.cmpi sgt, %add3A_80, %sign3A : i32
      %sign3A_87 = arith.extui %sign3A_86 : i1 to i32
      %sign3A_88 = arith.constant 0 : i32
      %sign3A_89 = arith.cmpi slt, %add3A_80, %sign3A_88 : i32
      %sign3A_90 = arith.extui %sign3A_89 : i1 to i32
      %sign3A_91 = arith.subi %sign3A_87, %sign3A_90 : i32
      %sign3A_92 = arith.constant 0 : i32
      %sign3A_93 = arith.cmpi sgt, %jit3A, %sign3A_92 : i32
      %sign3A_94 = arith.extui %sign3A_93 : i1 to i32
      %sign3A_95 = arith.constant 0 : i32
      %sign3A_96 = arith.cmpi slt, %jit3A, %sign3A_95 : i32
      %sign3A_97 = arith.extui %sign3A_96 : i1 to i32
      %sign3A_98 = arith.subi %sign3A_94, %sign3A_97 : i32
      %ne3A = arith.cmpi ne, %sign3A_91, %sign3A_98 : i32
      %rem3A = arith.remsi %add3A_80, %jit3A : i32
      %ne3A_99 = arith.constant 0 : i32
      %ne3A_100 = arith.cmpi ne, %rem3A, %ne3A_99 : i32
      %and3A = arith.andi %ne3A, %ne3A_100 : i1
      %sub3A = arith.constant 1 : i32
      %sub3A_101 = arith.subi %div3A, %sub3A : i32
      %select_n3A = arith.select %and3A, %sub3A_101, %div3A : i32
      %jit3A_102 = arith.constant 4 : i32
      %eq3A = arith.constant 0 : i32
      %eq3A_103 = arith.cmpi eq, %jit3A_102, %eq3A : i32
      %jit3A_104 = arith.constant 1 : i32
      %select_n3A_105 = arith.select %eq3A_103, %jit3A_104, %jit3A_102 : i32
      %rem3A_106 = arith.remsi %add3A_80, %select_n3A_105 : i32
      %ne3A_107 = arith.constant 0 : i32
      %ne3A_108 = arith.cmpi ne, %rem3A_106, %ne3A_107 : i32
      %lt3A = arith.constant 0 : i32
      %lt3A_109 = arith.cmpi slt, %rem3A_106, %lt3A : i32
      %lt3A_110 = arith.constant 0 : i32
      %lt3A_111 = arith.cmpi slt, %select_n3A_105, %lt3A_110 : i32
      %ne3A_112 = arith.xori %lt3A_109, %lt3A_111 : i1
      %and3A_113 = arith.andi %ne3A_112, %ne3A_108 : i1
      %add3A_114 = arith.addi %rem3A_106, %select_n3A_105 : i32
      %select_n3A_115 = arith.select %and3A_113, %add3A_114, %rem3A_106 : i32
      %mul3A_116 = arith.constant 128 : i32
      %mul3A_117 = arith.muli %select_n3A_115, %mul3A_116 : i32
      %add3A_118 = arith.addi %mul3A_2, %mul3A_117 : i32
      %mul3A_119 = arith.constant 32 : i32
      %mul3A_120 = arith.muli %mul3A_119, %select_n3A : i32
      %dma_start3A_121 = tpu.memref_slice %arg4[%mul3A_120, %add3A_118] : memref<1600x16384xf32, #tpu.memory_space<hbm>> -> memref<32x128xf32, #tpu.memory_space<hbm>>
      %dma_start3A_122 = tpu.memref_slice %arg4[%mul3A_120, %add3A_118] : memref<1600x16384xf32, #tpu.memory_space<hbm>> -> memref<32x128xf32, #tpu.memory_space<hbm>>
      tpu.enqueue_dma source(%arg14 : memref<32x128xf32, #tpu.memory_space<vmem>>) target(%dma_start3A_122 : memref<32x128xf32, #tpu.memory_space<hbm>>) target_semaphore(%arg23 : memref<!tpu.dma_semaphore, #tpu.memory_space<semaphore_mem>>)
      %lt3A_123 = arith.constant 49 : i32
      %lt3A_124 = arith.cmpi slt, %scan3A_76, %lt3A_123 : i32
      %convert_element_type3A_125 = arith.extui %lt3A_124 : i1 to i32
      %cond3A_126 = arith.constant 0 : i32
      %cond3A_127 = arith.cmpi ne, %convert_element_type3A_125, %cond3A_126 : i32
      scf.if %cond3A_127 {
        %add3A_314 = arith.constant 4 : i32
        %add3A_315 = arith.addi %add3A_80, %add3A_314 : i32
        %scan3A_316 = arith.constant 0 : i32
        %scan3A_317 = arith.constant 0 : i32
        %scan3A_318 = arith.constant 8 : i32
        %scan3A_319 = arith.addi %scan3A_317, %scan3A_318 : i32
        %scan3A_320 = arith.constant 1 : i32
        scf.for %scan3A_325 = %scan3A_317 to %scan3A_319 step %scan3A_320  : i32 {
          %mul3A_326 = arith.constant 128 : i32
          %mul3A_327 = arith.muli %add3A_315, %mul3A_326 : i32
          %mul3A_328 = arith.constant 16 : i32
          %mul3A_329 = arith.muli %scan3A_325, %mul3A_328 : i32
          %add3A_330 = arith.addi %mul3A_327, %mul3A_329 : i32
          %get3A = arith.index_cast %add3A_330 : i32 to index
          %get3A_331 = tpu.vector_load %arg5[%get3A] {strides = array<i32>} : memref<25600xi32, #tpu.memory_space<vmem>>, vector<16xi32>,
          %shift_right_arithmetic3A = arith.constant 2 : i32
          %shift_right_arithmetic3A_332 = vector.broadcast %shift_right_arithmetic3A : i32 to vector<16xi32>
          %shift_right_arithmetic3A_333 = arith.shrsi %get3A_331, %shift_right_arithmetic3A_332 : vector<16xi32>
          %mul3A_334 = arith.constant 16 : i32
          %mul3A_335 = arith.muli %scan3A_325, %mul3A_334 : i32
          %swap3A = arith.index_cast %mul3A_335 : i32 to index
          %swap3A_336 = tpu.vector_load %arg6[%swap3A] {strides = array<i32>} : memref<128xi32, #tpu.memory_space<vmem>>, vector<16xi32>,
          tpu.vector_store %arg6[%swap3A], %shift_right_arithmetic3A_333 {strides = array<i32>} : memref<128xi32, #tpu.memory_space<vmem>>, vector<16xi32>,
        }
        %scan3A_321 = arith.constant 8 : i32
        %dma_start3A_322 = arith.constant 0 : i32
        %dma_start3A_323 = arith.constant 0 : i32
        %dma_start3A_324 = tpu.memref_slice %arg3[%dma_start3A_322, %dma_start3A_323] : memref<250000x128xf32, #tpu.memory_space<hbm>> -> memref<250000x128xf32, #tpu.memory_space<hbm>>
        tpu.enqueue_indirect_dma source(%dma_start3A_324 : memref<250000x128xf32, #tpu.memory_space<hbm>>) target(%arg10 : memref<128x128xf32, #tpu.memory_space<vmem>>) offsets(%arg6 : memref<128xi32, #tpu.memory_space<vmem>>) semaphore(%arg19 : memref<!tpu.dma_semaphore, #tpu.memory_space<semaphore_mem>>)
      } else {
      }
      %add3A_128 = arith.constant 1 : i32
      %add3A_129 = arith.addi %mul3A_78, %add3A_128 : i32
      %dma_wait3A_130 = arith.constant 0 : i32
      %dma_wait3A_131 = arith.constant 0 : i32
      %dma_wait3A_132 = tpu.memref_slice %arg3[%dma_wait3A_130, %dma_wait3A_131] : memref<250000x128xf32, #tpu.memory_space<hbm>> -> memref<250000x128xf32, #tpu.memory_space<hbm>>
      tpu.wait_indirect_dma semaphore(%arg20 : memref<!tpu.dma_semaphore, #tpu.memory_space<semaphore_mem>>) src(%dma_wait3A_132 : memref<250000x128xf32, #tpu.memory_space<hbm>>) dst(%arg11 : memref<128x128xf32, #tpu.memory_space<vmem>>)
      %gt3A_133 = arith.constant 0 : i32
      %gt3A_134 = arith.cmpi sgt, %scan3A_76, %gt3A_133 : i32
      %convert_element_type3A_135 = arith.extui %gt3A_134 : i1 to i32
      %cond3A_136 = arith.constant 0 : i32
      %cond3A_137 = arith.cmpi ne, %convert_element_type3A_135, %cond3A_136 : i32
      scf.if %cond3A_137 {
        %sub3A_314 = arith.constant 4 : i32
        %sub3A_315 = arith.subi %add3A_129, %sub3A_314 : i32
        %jit3A_316 = arith.constant 4 : i32
        %div3A_317 = arith.divsi %sub3A_315, %jit3A_316 : i32
        %sign3A_318 = arith.constant 0 : i32
        %sign3A_319 = arith.cmpi sgt, %sub3A_315, %sign3A_318 : i32
        %sign3A_320 = arith.extui %sign3A_319 : i1 to i32
        %sign3A_321 = arith.constant 0 : i32
        %sign3A_322 = arith.cmpi slt, %sub3A_315, %sign3A_321 : i32
        %sign3A_323 = arith.extui %sign3A_322 : i1 to i32
        %sign3A_324 = arith.subi %sign3A_320, %sign3A_323 : i32
        %sign3A_325 = arith.constant 0 : i32
        %sign3A_326 = arith.cmpi sgt, %jit3A_316, %sign3A_325 : i32
        %sign3A_327 = arith.extui %sign3A_326 : i1 to i32
        %sign3A_328 = arith.constant 0 : i32
        %sign3A_329 = arith.cmpi slt, %jit3A_316, %sign3A_328 : i32
        %sign3A_330 = arith.extui %sign3A_329 : i1 to i32
        %sign3A_331 = arith.subi %sign3A_327, %sign3A_330 : i32
        %ne3A_332 = arith.cmpi ne, %sign3A_324, %sign3A_331 : i32
        %rem3A_333 = arith.remsi %sub3A_315, %jit3A_316 : i32
        %ne3A_334 = arith.constant 0 : i32
        %ne3A_335 = arith.cmpi ne, %rem3A_333, %ne3A_334 : i32
        %and3A_336 = arith.andi %ne3A_332, %ne3A_335 : i1
        %sub3A_337 = arith.constant 1 : i32
        %sub3A_338 = arith.subi %div3A_317, %sub3A_337 : i32
        %select_n3A_339 = arith.select %and3A_336, %sub3A_338, %div3A_317 : i32
        %jit3A_340 = arith.constant 4 : i32
        %eq3A_341 = arith.constant 0 : i32
        %eq3A_342 = arith.cmpi eq, %jit3A_340, %eq3A_341 : i32
        %jit3A_343 = arith.constant 1 : i32
        %select_n3A_344 = arith.select %eq3A_342, %jit3A_343, %jit3A_340 : i32
        %rem3A_345 = arith.remsi %sub3A_315, %select_n3A_344 : i32
        %ne3A_346 = arith.constant 0 : i32
        %ne3A_347 = arith.cmpi ne, %rem3A_345, %ne3A_346 : i32
        %lt3A_348 = arith.constant 0 : i32
        %lt3A_349 = arith.cmpi slt, %rem3A_345, %lt3A_348 : i32
        %lt3A_350 = arith.constant 0 : i32
        %lt3A_351 = arith.cmpi slt, %select_n3A_344, %lt3A_350 : i32
        %ne3A_352 = arith.xori %lt3A_349, %lt3A_351 : i1
        %and3A_353 = arith.andi %ne3A_352, %ne3A_347 : i1
        %add3A_354 = arith.addi %rem3A_345, %select_n3A_344 : i32
        %select_n3A_355 = arith.select %and3A_353, %add3A_354, %rem3A_345 : i32
        %mul3A_356 = arith.constant 128 : i32
        %mul3A_357 = arith.muli %select_n3A_355, %mul3A_356 : i32
        %add3A_358 = arith.addi %mul3A_2, %mul3A_357 : i32
        %mul3A_359 = arith.constant 32 : i32
        %mul3A_360 = arith.muli %mul3A_359, %select_n3A_339 : i32
        %dma_wait3A_361 = tpu.memref_slice %arg4[%mul3A_360, %add3A_358] : memref<1600x16384xf32, #tpu.memory_space<hbm>> -> memref<32x128xf32, #tpu.memory_space<hbm>>
        %dma_wait3A_362 = tpu.memref_slice %arg4[%mul3A_360, %add3A_358] : memref<1600x16384xf32, #tpu.memory_space<hbm>> -> memref<32x128xf32, #tpu.memory_space<hbm>>
        tpu.wait_dma2 semaphore(%arg24 : memref<!tpu.dma_semaphore, #tpu.memory_space<semaphore_mem>>) src(%arg15 : memref<32x128xf32, #tpu.memory_space<vmem>>) dst(%dma_wait3A_362 : memref<32x128xf32, #tpu.memory_space<hbm>>)
      } else {
      }
      %jit3A_138 = arith.constant 4 : i32
      %div3A_139 = arith.divsi %add3A_129, %jit3A_138 : i32
      %sign3A_140 = arith.constant 0 : i32
      %sign3A_141 = arith.cmpi sgt, %add3A_129, %sign3A_140 : i32
      %sign3A_142 = arith.extui %sign3A_141 : i1 to i32
      %sign3A_143 = arith.constant 0 : i32
      %sign3A_144 = arith.cmpi slt, %add3A_129, %sign3A_143 : i32
      %sign3A_145 = arith.extui %sign3A_144 : i1 to i32
      %sign3A_146 = arith.subi %sign3A_142, %sign3A_145 : i32
      %sign3A_147 = arith.constant 0 : i32
      %sign3A_148 = arith.cmpi sgt, %jit3A_138, %sign3A_147 : i32
      %sign3A_149 = arith.extui %sign3A_148 : i1 to i32
      %sign3A_150 = arith.constant 0 : i32
      %sign3A_151 = arith.cmpi slt, %jit3A_138, %sign3A_150 : i32
      %sign3A_152 = arith.extui %sign3A_151 : i1 to i32
      %sign3A_153 = arith.subi %sign3A_149, %sign3A_152 : i32
      %ne3A_154 = arith.cmpi ne, %sign3A_146, %sign3A_153 : i32
      %rem3A_155 = arith.remsi %add3A_129, %jit3A_138 : i32
      %ne3A_156 = arith.constant 0 : i32
      %ne3A_157 = arith.cmpi ne, %rem3A_155, %ne3A_156 : i32
      %and3A_158 = arith.andi %ne3A_154, %ne3A_157 : i1
      %sub3A_159 = arith.constant 1 : i32
      %sub3A_160 = arith.subi %div3A_139, %sub3A_159 : i32
      %select_n3A_161 = arith.select %and3A_158, %sub3A_160, %div3A_139 : i32
      %jit3A_162 = arith.constant 4 : i32
      %eq3A_163 = arith.constant 0 : i32
      %eq3A_164 = arith.cmpi eq, %jit3A_162, %eq3A_163 : i32
      %jit3A_165 = arith.constant 1 : i32
      %select_n3A_166 = arith.select %eq3A_164, %jit3A_165, %jit3A_162 : i32
      %rem3A_167 = arith.remsi %add3A_129, %select_n3A_166 : i32
      %ne3A_168 = arith.constant 0 : i32
      %ne3A_169 = arith.cmpi ne, %rem3A_167, %ne3A_168 : i32
      %lt3A_170 = arith.constant 0 : i32
      %lt3A_171 = arith.cmpi slt, %rem3A_167, %lt3A_170 : i32
      %lt3A_172 = arith.constant 0 : i32
      %lt3A_173 = arith.cmpi slt, %select_n3A_166, %lt3A_172 : i32
      %ne3A_174 = arith.xori %lt3A_171, %lt3A_173 : i1
      %and3A_175 = arith.andi %ne3A_174, %ne3A_169 : i1
      %add3A_176 = arith.addi %rem3A_167, %select_n3A_166 : i32
      %select_n3A_177 = arith.select %and3A_175, %add3A_176, %rem3A_167 : i32
      %mul3A_178 = arith.constant 128 : i32
      %mul3A_179 = arith.muli %select_n3A_177, %mul3A_178 : i32
      %add3A_180 = arith.addi %mul3A_2, %mul3A_179 : i32
      %mul3A_181 = arith.constant 32 : i32
      %mul3A_182 = arith.muli %mul3A_181, %select_n3A_161 : i32
      %dma_start3A_183 = tpu.memref_slice %arg4[%mul3A_182, %add3A_180] : memref<1600x16384xf32, #tpu.memory_space<hbm>> -> memref<32x128xf32, #tpu.memory_space<hbm>>
      %dma_start3A_184 = tpu.memref_slice %arg4[%mul3A_182, %add3A_180] : memref<1600x16384xf32, #tpu.memory_space<hbm>> -> memref<32x128xf32, #tpu.memory_space<hbm>>
      tpu.enqueue_dma source(%arg15 : memref<32x128xf32, #tpu.memory_space<vmem>>) target(%dma_start3A_184 : memref<32x128xf32, #tpu.memory_space<hbm>>) target_semaphore(%arg24 : memref<!tpu.dma_semaphore, #tpu.memory_space<semaphore_mem>>)
      %lt3A_185 = arith.constant 49 : i32
      %lt3A_186 = arith.cmpi slt, %scan3A_76, %lt3A_185 : i32
      %convert_element_type3A_187 = arith.extui %lt3A_186 : i1 to i32
      %cond3A_188 = arith.constant 0 : i32
      %cond3A_189 = arith.cmpi ne, %convert_element_type3A_187, %cond3A_188 : i32
      scf.if %cond3A_189 {
        %add3A_314 = arith.constant 4 : i32
        %add3A_315 = arith.addi %add3A_129, %add3A_314 : i32
        %scan3A_316 = arith.constant 0 : i32
        %scan3A_317 = arith.constant 0 : i32
        %scan3A_318 = arith.constant 8 : i32
        %scan3A_319 = arith.addi %scan3A_317, %scan3A_318 : i32
        %scan3A_320 = arith.constant 1 : i32
        scf.for %scan3A_325 = %scan3A_317 to %scan3A_319 step %scan3A_320  : i32 {
          %mul3A_326 = arith.constant 128 : i32
          %mul3A_327 = arith.muli %add3A_315, %mul3A_326 : i32
          %mul3A_328 = arith.constant 16 : i32
          %mul3A_329 = arith.muli %scan3A_325, %mul3A_328 : i32
          %add3A_330 = arith.addi %mul3A_327, %mul3A_329 : i32
          %get3A = arith.index_cast %add3A_330 : i32 to index
          %get3A_331 = tpu.vector_load %arg5[%get3A] {strides = array<i32>} : memref<25600xi32, #tpu.memory_space<vmem>>, vector<16xi32>,
          %shift_right_arithmetic3A = arith.constant 2 : i32
          %shift_right_arithmetic3A_332 = vector.broadcast %shift_right_arithmetic3A : i32 to vector<16xi32>
          %shift_right_arithmetic3A_333 = arith.shrsi %get3A_331, %shift_right_arithmetic3A_332 : vector<16xi32>
          %mul3A_334 = arith.constant 16 : i32
          %mul3A_335 = arith.muli %scan3A_325, %mul3A_334 : i32
          %swap3A = arith.index_cast %mul3A_335 : i32 to index
          %swap3A_336 = tpu.vector_load %arg7[%swap3A] {strides = array<i32>} : memref<128xi32, #tpu.memory_space<vmem>>, vector<16xi32>,
          tpu.vector_store %arg7[%swap3A], %shift_right_arithmetic3A_333 {strides = array<i32>} : memref<128xi32, #tpu.memory_space<vmem>>, vector<16xi32>,
        }
        %scan3A_321 = arith.constant 8 : i32
        %dma_start3A_322 = arith.constant 0 : i32
        %dma_start3A_323 = arith.constant 0 : i32
        %dma_start3A_324 = tpu.memref_slice %arg3[%dma_start3A_322, %dma_start3A_323] : memref<250000x128xf32, #tpu.memory_space<hbm>> -> memref<250000x128xf32, #tpu.memory_space<hbm>>
        tpu.enqueue_indirect_dma source(%dma_start3A_324 : memref<250000x128xf32, #tpu.memory_space<hbm>>) target(%arg11 : memref<128x128xf32, #tpu.memory_space<vmem>>) offsets(%arg7 : memref<128xi32, #tpu.memory_space<vmem>>) semaphore(%arg20 : memref<!tpu.dma_semaphore, #tpu.memory_space<semaphore_mem>>)
      } else {
      }
      %add3A_190 = arith.constant 2 : i32
      %add3A_191 = arith.addi %mul3A_78, %add3A_190 : i32
      %dma_wait3A_192 = arith.constant 0 : i32
      %dma_wait3A_193 = arith.constant 0 : i32
      %dma_wait3A_194 = tpu.memref_slice %arg3[%dma_wait3A_192, %dma_wait3A_193] : memref<250000x128xf32, #tpu.memory_space<hbm>> -> memref<250000x128xf32, #tpu.memory_space<hbm>>
      tpu.wait_indirect_dma semaphore(%arg21 : memref<!tpu.dma_semaphore, #tpu.memory_space<semaphore_mem>>) src(%dma_wait3A_194 : memref<250000x128xf32, #tpu.memory_space<hbm>>) dst(%arg12 : memref<128x128xf32, #tpu.memory_space<vmem>>)
      %gt3A_195 = arith.constant 0 : i32
      %gt3A_196 = arith.cmpi sgt, %scan3A_76, %gt3A_195 : i32
      %convert_element_type3A_197 = arith.extui %gt3A_196 : i1 to i32
      %cond3A_198 = arith.constant 0 : i32
      %cond3A_199 = arith.cmpi ne, %convert_element_type3A_197, %cond3A_198 : i32
      scf.if %cond3A_199 {
        %sub3A_314 = arith.constant 4 : i32
        %sub3A_315 = arith.subi %add3A_191, %sub3A_314 : i32
        %jit3A_316 = arith.constant 4 : i32
        %div3A_317 = arith.divsi %sub3A_315, %jit3A_316 : i32
        %sign3A_318 = arith.constant 0 : i32
        %sign3A_319 = arith.cmpi sgt, %sub3A_315, %sign3A_318 : i32
        %sign3A_320 = arith.extui %sign3A_319 : i1 to i32
        %sign3A_321 = arith.constant 0 : i32
        %sign3A_322 = arith.cmpi slt, %sub3A_315, %sign3A_321 : i32
        %sign3A_323 = arith.extui %sign3A_322 : i1 to i32
        %sign3A_324 = arith.subi %sign3A_320, %sign3A_323 : i32
        %sign3A_325 = arith.constant 0 : i32
        %sign3A_326 = arith.cmpi sgt, %jit3A_316, %sign3A_325 : i32
        %sign3A_327 = arith.extui %sign3A_326 : i1 to i32
        %sign3A_328 = arith.constant 0 : i32
        %sign3A_329 = arith.cmpi slt, %jit3A_316, %sign3A_328 : i32
        %sign3A_330 = arith.extui %sign3A_329 : i1 to i32
        %sign3A_331 = arith.subi %sign3A_327, %sign3A_330 : i32
        %ne3A_332 = arith.cmpi ne, %sign3A_324, %sign3A_331 : i32
        %rem3A_333 = arith.remsi %sub3A_315, %jit3A_316 : i32
        %ne3A_334 = arith.constant 0 : i32
        %ne3A_335 = arith.cmpi ne, %rem3A_333, %ne3A_334 : i32
        %and3A_336 = arith.andi %ne3A_332, %ne3A_335 : i1
        %sub3A_337 = arith.constant 1 : i32
        %sub3A_338 = arith.subi %div3A_317, %sub3A_337 : i32
        %select_n3A_339 = arith.select %and3A_336, %sub3A_338, %div3A_317 : i32
        %jit3A_340 = arith.constant 4 : i32
        %eq3A_341 = arith.constant 0 : i32
        %eq3A_342 = arith.cmpi eq, %jit3A_340, %eq3A_341 : i32
        %jit3A_343 = arith.constant 1 : i32
        %select_n3A_344 = arith.select %eq3A_342, %jit3A_343, %jit3A_340 : i32
        %rem3A_345 = arith.remsi %sub3A_315, %select_n3A_344 : i32
        %ne3A_346 = arith.constant 0 : i32
        %ne3A_347 = arith.cmpi ne, %rem3A_345, %ne3A_346 : i32
        %lt3A_348 = arith.constant 0 : i32
        %lt3A_349 = arith.cmpi slt, %rem3A_345, %lt3A_348 : i32
        %lt3A_350 = arith.constant 0 : i32
        %lt3A_351 = arith.cmpi slt, %select_n3A_344, %lt3A_350 : i32
        %ne3A_352 = arith.xori %lt3A_349, %lt3A_351 : i1
        %and3A_353 = arith.andi %ne3A_352, %ne3A_347 : i1
        %add3A_354 = arith.addi %rem3A_345, %select_n3A_344 : i32
        %select_n3A_355 = arith.select %and3A_353, %add3A_354, %rem3A_345 : i32
        %mul3A_356 = arith.constant 128 : i32
        %mul3A_357 = arith.muli %select_n3A_355, %mul3A_356 : i32
        %add3A_358 = arith.addi %mul3A_2, %mul3A_357 : i32
        %mul3A_359 = arith.constant 32 : i32
        %mul3A_360 = arith.muli %mul3A_359, %select_n3A_339 : i32
        %dma_wait3A_361 = tpu.memref_slice %arg4[%mul3A_360, %add3A_358] : memref<1600x16384xf32, #tpu.memory_space<hbm>> -> memref<32x128xf32, #tpu.memory_space<hbm>>
        %dma_wait3A_362 = tpu.memref_slice %arg4[%mul3A_360, %add3A_358] : memref<1600x16384xf32, #tpu.memory_space<hbm>> -> memref<32x128xf32, #tpu.memory_space<hbm>>
        tpu.wait_dma2 semaphore(%arg25 : memref<!tpu.dma_semaphore, #tpu.memory_space<semaphore_mem>>) src(%arg16 : memref<32x128xf32, #tpu.memory_space<vmem>>) dst(%dma_wait3A_362 : memref<32x128xf32, #tpu.memory_space<hbm>>)
      } else {
      }
      %jit3A_200 = arith.constant 4 : i32
      %div3A_201 = arith.divsi %add3A_191, %jit3A_200 : i32
      %sign3A_202 = arith.constant 0 : i32
      %sign3A_203 = arith.cmpi sgt, %add3A_191, %sign3A_202 : i32
      %sign3A_204 = arith.extui %sign3A_203 : i1 to i32
      %sign3A_205 = arith.constant 0 : i32
      %sign3A_206 = arith.cmpi slt, %add3A_191, %sign3A_205 : i32
      %sign3A_207 = arith.extui %sign3A_206 : i1 to i32
      %sign3A_208 = arith.subi %sign3A_204, %sign3A_207 : i32
      %sign3A_209 = arith.constant 0 : i32
      %sign3A_210 = arith.cmpi sgt, %jit3A_200, %sign3A_209 : i32
      %sign3A_211 = arith.extui %sign3A_210 : i1 to i32
      %sign3A_212 = arith.constant 0 : i32
      %sign3A_213 = arith.cmpi slt, %jit3A_200, %sign3A_212 : i32
      %sign3A_214 = arith.extui %sign3A_213 : i1 to i32
      %sign3A_215 = arith.subi %sign3A_211, %sign3A_214 : i32
      %ne3A_216 = arith.cmpi ne, %sign3A_208, %sign3A_215 : i32
      %rem3A_217 = arith.remsi %add3A_191, %jit3A_200 : i32
      %ne3A_218 = arith.constant 0 : i32
      %ne3A_219 = arith.cmpi ne, %rem3A_217, %ne3A_218 : i32
      %and3A_220 = arith.andi %ne3A_216, %ne3A_219 : i1
      %sub3A_221 = arith.constant 1 : i32
      %sub3A_222 = arith.subi %div3A_201, %sub3A_221 : i32
      %select_n3A_223 = arith.select %and3A_220, %sub3A_222, %div3A_201 : i32
      %jit3A_224 = arith.constant 4 : i32
      %eq3A_225 = arith.constant 0 : i32
      %eq3A_226 = arith.cmpi eq, %jit3A_224, %eq3A_225 : i32
      %jit3A_227 = arith.constant 1 : i32
      %select_n3A_228 = arith.select %eq3A_226, %jit3A_227, %jit3A_224 : i32
      %rem3A_229 = arith.remsi %add3A_191, %select_n3A_228 : i32
      %ne3A_230 = arith.constant 0 : i32
      %ne3A_231 = arith.cmpi ne, %rem3A_229, %ne3A_230 : i32
      %lt3A_232 = arith.constant 0 : i32
      %lt3A_233 = arith.cmpi slt, %rem3A_229, %lt3A_232 : i32
      %lt3A_234 = arith.constant 0 : i32
      %lt3A_235 = arith.cmpi slt, %select_n3A_228, %lt3A_234 : i32
      %ne3A_236 = arith.xori %lt3A_233, %lt3A_235 : i1
      %and3A_237 = arith.andi %ne3A_236, %ne3A_231 : i1
      %add3A_238 = arith.addi %rem3A_229, %select_n3A_228 : i32
      %select_n3A_239 = arith.select %and3A_237, %add3A_238, %rem3A_229 : i32
      %mul3A_240 = arith.constant 128 : i32
      %mul3A_241 = arith.muli %select_n3A_239, %mul3A_240 : i32
      %add3A_242 = arith.addi %mul3A_2, %mul3A_241 : i32
      %mul3A_243 = arith.constant 32 : i32
      %mul3A_244 = arith.muli %mul3A_243, %select_n3A_223 : i32
      %dma_start3A_245 = tpu.memref_slice %arg4[%mul3A_244, %add3A_242] : memref<1600x16384xf32, #tpu.memory_space<hbm>> -> memref<32x128xf32, #tpu.memory_space<hbm>>
      %dma_start3A_246 = tpu.memref_slice %arg4[%mul3A_244, %add3A_242] : memref<1600x16384xf32, #tpu.memory_space<hbm>> -> memref<32x128xf32, #tpu.memory_space<hbm>>
      tpu.enqueue_dma source(%arg16 : memref<32x128xf32, #tpu.memory_space<vmem>>) target(%dma_start3A_246 : memref<32x128xf32, #tpu.memory_space<hbm>>) target_semaphore(%arg25 : memref<!tpu.dma_semaphore, #tpu.memory_space<semaphore_mem>>)
      %lt3A_247 = arith.constant 49 : i32
      %lt3A_248 = arith.cmpi slt, %scan3A_76, %lt3A_247 : i32
      %convert_element_type3A_249 = arith.extui %lt3A_248 : i1 to i32
      %cond3A_250 = arith.constant 0 : i32
      %cond3A_251 = arith.cmpi ne, %convert_element_type3A_249, %cond3A_250 : i32
      scf.if %cond3A_251 {
        %add3A_314 = arith.constant 4 : i32
        %add3A_315 = arith.addi %add3A_191, %add3A_314 : i32
        %scan3A_316 = arith.constant 0 : i32
        %scan3A_317 = arith.constant 0 : i32
        %scan3A_318 = arith.constant 8 : i32
        %scan3A_319 = arith.addi %scan3A_317, %scan3A_318 : i32
        %scan3A_320 = arith.constant 1 : i32
        scf.for %scan3A_325 = %scan3A_317 to %scan3A_319 step %scan3A_320  : i32 {
          %mul3A_326 = arith.constant 128 : i32
          %mul3A_327 = arith.muli %add3A_315, %mul3A_326 : i32
          %mul3A_328 = arith.constant 16 : i32
          %mul3A_329 = arith.muli %scan3A_325, %mul3A_328 : i32
          %add3A_330 = arith.addi %mul3A_327, %mul3A_329 : i32
          %get3A = arith.index_cast %add3A_330 : i32 to index
          %get3A_331 = tpu.vector_load %arg5[%get3A] {strides = array<i32>} : memref<25600xi32, #tpu.memory_space<vmem>>, vector<16xi32>,
          %shift_right_arithmetic3A = arith.constant 2 : i32
          %shift_right_arithmetic3A_332 = vector.broadcast %shift_right_arithmetic3A : i32 to vector<16xi32>
          %shift_right_arithmetic3A_333 = arith.shrsi %get3A_331, %shift_right_arithmetic3A_332 : vector<16xi32>
          %mul3A_334 = arith.constant 16 : i32
          %mul3A_335 = arith.muli %scan3A_325, %mul3A_334 : i32
          %swap3A = arith.index_cast %mul3A_335 : i32 to index
          %swap3A_336 = tpu.vector_load %arg8[%swap3A] {strides = array<i32>} : memref<128xi32, #tpu.memory_space<vmem>>, vector<16xi32>,
          tpu.vector_store %arg8[%swap3A], %shift_right_arithmetic3A_333 {strides = array<i32>} : memref<128xi32, #tpu.memory_space<vmem>>, vector<16xi32>,
        }
        %scan3A_321 = arith.constant 8 : i32
        %dma_start3A_322 = arith.constant 0 : i32
        %dma_start3A_323 = arith.constant 0 : i32
        %dma_start3A_324 = tpu.memref_slice %arg3[%dma_start3A_322, %dma_start3A_323] : memref<250000x128xf32, #tpu.memory_space<hbm>> -> memref<250000x128xf32, #tpu.memory_space<hbm>>
        tpu.enqueue_indirect_dma source(%dma_start3A_324 : memref<250000x128xf32, #tpu.memory_space<hbm>>) target(%arg12 : memref<128x128xf32, #tpu.memory_space<vmem>>) offsets(%arg8 : memref<128xi32, #tpu.memory_space<vmem>>) semaphore(%arg21 : memref<!tpu.dma_semaphore, #tpu.memory_space<semaphore_mem>>)
      } else {
      }
      %add3A_252 = arith.constant 3 : i32
      %add3A_253 = arith.addi %mul3A_78, %add3A_252 : i32
      %dma_wait3A_254 = arith.constant 0 : i32
      %dma_wait3A_255 = arith.constant 0 : i32
      %dma_wait3A_256 = tpu.memref_slice %arg3[%dma_wait3A_254, %dma_wait3A_255] : memref<250000x128xf32, #tpu.memory_space<hbm>> -> memref<250000x128xf32, #tpu.memory_space<hbm>>
      tpu.wait_indirect_dma semaphore(%arg22 : memref<!tpu.dma_semaphore, #tpu.memory_space<semaphore_mem>>) src(%dma_wait3A_256 : memref<250000x128xf32, #tpu.memory_space<hbm>>) dst(%arg13 : memref<128x128xf32, #tpu.memory_space<vmem>>)
      %gt3A_257 = arith.constant 0 : i32
      %gt3A_258 = arith.cmpi sgt, %scan3A_76, %gt3A_257 : i32
      %convert_element_type3A_259 = arith.extui %gt3A_258 : i1 to i32
      %cond3A_260 = arith.constant 0 : i32
      %cond3A_261 = arith.cmpi ne, %convert_element_type3A_259, %cond3A_260 : i32
      scf.if %cond3A_261 {
        %sub3A_314 = arith.constant 4 : i32
        %sub3A_315 = arith.subi %add3A_253, %sub3A_314 : i32
        %jit3A_316 = arith.constant 4 : i32
        %div3A_317 = arith.divsi %sub3A_315, %jit3A_316 : i32
        %sign3A_318 = arith.constant 0 : i32
        %sign3A_319 = arith.cmpi sgt, %sub3A_315, %sign3A_318 : i32
        %sign3A_320 = arith.extui %sign3A_319 : i1 to i32
        %sign3A_321 = arith.constant 0 : i32
        %sign3A_322 = arith.cmpi slt, %sub3A_315, %sign3A_321 : i32
        %sign3A_323 = arith.extui %sign3A_322 : i1 to i32
        %sign3A_324 = arith.subi %sign3A_320, %sign3A_323 : i32
        %sign3A_325 = arith.constant 0 : i32
        %sign3A_326 = arith.cmpi sgt, %jit3A_316, %sign3A_325 : i32
        %sign3A_327 = arith.extui %sign3A_326 : i1 to i32
        %sign3A_328 = arith.constant 0 : i32
        %sign3A_329 = arith.cmpi slt, %jit3A_316, %sign3A_328 : i32
        %sign3A_330 = arith.extui %sign3A_329 : i1 to i32
        %sign3A_331 = arith.subi %sign3A_327, %sign3A_330 : i32
        %ne3A_332 = arith.cmpi ne, %sign3A_324, %sign3A_331 : i32
        %rem3A_333 = arith.remsi %sub3A_315, %jit3A_316 : i32
        %ne3A_334 = arith.constant 0 : i32
        %ne3A_335 = arith.cmpi ne, %rem3A_333, %ne3A_334 : i32
        %and3A_336 = arith.andi %ne3A_332, %ne3A_335 : i1
        %sub3A_337 = arith.constant 1 : i32
        %sub3A_338 = arith.subi %div3A_317, %sub3A_337 : i32
        %select_n3A_339 = arith.select %and3A_336, %sub3A_338, %div3A_317 : i32
        %jit3A_340 = arith.constant 4 : i32
        %eq3A_341 = arith.constant 0 : i32
        %eq3A_342 = arith.cmpi eq, %jit3A_340, %eq3A_341 : i32
        %jit3A_343 = arith.constant 1 : i32
        %select_n3A_344 = arith.select %eq3A_342, %jit3A_343, %jit3A_340 : i32
        %rem3A_345 = arith.remsi %sub3A_315, %select_n3A_344 : i32
        %ne3A_346 = arith.constant 0 : i32
        %ne3A_347 = arith.cmpi ne, %rem3A_345, %ne3A_346 : i32
        %lt3A_348 = arith.constant 0 : i32
        %lt3A_349 = arith.cmpi slt, %rem3A_345, %lt3A_348 : i32
        %lt3A_350 = arith.constant 0 : i32
        %lt3A_351 = arith.cmpi slt, %select_n3A_344, %lt3A_350 : i32
        %ne3A_352 = arith.xori %lt3A_349, %lt3A_351 : i1
        %and3A_353 = arith.andi %ne3A_352, %ne3A_347 : i1
        %add3A_354 = arith.addi %rem3A_345, %select_n3A_344 : i32
        %select_n3A_355 = arith.select %and3A_353, %add3A_354, %rem3A_345 : i32
        %mul3A_356 = arith.constant 128 : i32
        %mul3A_357 = arith.muli %select_n3A_355, %mul3A_356 : i32
        %add3A_358 = arith.addi %mul3A_2, %mul3A_357 : i32
        %mul3A_359 = arith.constant 32 : i32
        %mul3A_360 = arith.muli %mul3A_359, %select_n3A_339 : i32
        %dma_wait3A_361 = tpu.memref_slice %arg4[%mul3A_360, %add3A_358] : memref<1600x16384xf32, #tpu.memory_space<hbm>> -> memref<32x128xf32, #tpu.memory_space<hbm>>
        %dma_wait3A_362 = tpu.memref_slice %arg4[%mul3A_360, %add3A_358] : memref<1600x16384xf32, #tpu.memory_space<hbm>> -> memref<32x128xf32, #tpu.memory_space<hbm>>
        tpu.wait_dma2 semaphore(%arg26 : memref<!tpu.dma_semaphore, #tpu.memory_space<semaphore_mem>>) src(%arg17 : memref<32x128xf32, #tpu.memory_space<vmem>>) dst(%dma_wait3A_362 : memref<32x128xf32, #tpu.memory_space<hbm>>)
      } else {
      }
      %jit3A_262 = arith.constant 4 : i32
      %div3A_263 = arith.divsi %add3A_253, %jit3A_262 : i32
      %sign3A_264 = arith.constant 0 : i32
      %sign3A_265 = arith.cmpi sgt, %add3A_253, %sign3A_264 : i32
      %sign3A_266 = arith.extui %sign3A_265 : i1 to i32
      %sign3A_267 = arith.constant 0 : i32
      %sign3A_268 = arith.cmpi slt, %add3A_253, %sign3A_267 : i32
      %sign3A_269 = arith.extui %sign3A_268 : i1 to i32
      %sign3A_270 = arith.subi %sign3A_266, %sign3A_269 : i32
      %sign3A_271 = arith.constant 0 : i32
      %sign3A_272 = arith.cmpi sgt, %jit3A_262, %sign3A_271 : i32
      %sign3A_273 = arith.extui %sign3A_272 : i1 to i32
      %sign3A_274 = arith.constant 0 : i32
      %sign3A_275 = arith.cmpi slt, %jit3A_262, %sign3A_274 : i32
      %sign3A_276 = arith.extui %sign3A_275 : i1 to i32
      %sign3A_277 = arith.subi %sign3A_273, %sign3A_276 : i32
      %ne3A_278 = arith.cmpi ne, %sign3A_270, %sign3A_277 : i32
      %rem3A_279 = arith.remsi %add3A_253, %jit3A_262 : i32
      %ne3A_280 = arith.constant 0 : i32
      %ne3A_281 = arith.cmpi ne, %rem3A_279, %ne3A_280 : i32
      %and3A_282 = arith.andi %ne3A_278, %ne3A_281 : i1
      %sub3A_283 = arith.constant 1 : i32
      %sub3A_284 = arith.subi %div3A_263, %sub3A_283 : i32
      %select_n3A_285 = arith.select %and3A_282, %sub3A_284, %div3A_263 : i32
      %jit3A_286 = arith.constant 4 : i32
      %eq3A_287 = arith.constant 0 : i32
      %eq3A_288 = arith.cmpi eq, %jit3A_286, %eq3A_287 : i32
      %jit3A_289 = arith.constant 1 : i32
      %select_n3A_290 = arith.select %eq3A_288, %jit3A_289, %jit3A_286 : i32
      %rem3A_291 = arith.remsi %add3A_253, %select_n3A_290 : i32
      %ne3A_292 = arith.constant 0 : i32
      %ne3A_293 = arith.cmpi ne, %rem3A_291, %ne3A_292 : i32
      %lt3A_294 = arith.constant 0 : i32
      %lt3A_295 = arith.cmpi slt, %rem3A_291, %lt3A_294 : i32
      %lt3A_296 = arith.constant 0 : i32
      %lt3A_297 = arith.cmpi slt, %select_n3A_290, %lt3A_296 : i32
      %ne3A_298 = arith.xori %lt3A_295, %lt3A_297 : i1
      %and3A_299 = arith.andi %ne3A_298, %ne3A_293 : i1
      %add3A_300 = arith.addi %rem3A_291, %select_n3A_290 : i32
      %select_n3A_301 = arith.select %and3A_299, %add3A_300, %rem3A_291 : i32
      %mul3A_302 = arith.constant 128 : i32
      %mul3A_303 = arith.muli %select_n3A_301, %mul3A_302 : i32
      %add3A_304 = arith.addi %mul3A_2, %mul3A_303 : i32
      %mul3A_305 = arith.constant 32 : i32
      %mul3A_306 = arith.muli %mul3A_305, %select_n3A_285 : i32
      %dma_start3A_307 = tpu.memref_slice %arg4[%mul3A_306, %add3A_304] : memref<1600x16384xf32, #tpu.memory_space<hbm>> -> memref<32x128xf32, #tpu.memory_space<hbm>>
      %dma_start3A_308 = tpu.memref_slice %arg4[%mul3A_306, %add3A_304] : memref<1600x16384xf32, #tpu.memory_space<hbm>> -> memref<32x128xf32, #tpu.memory_space<hbm>>
      tpu.enqueue_dma source(%arg17 : memref<32x128xf32, #tpu.memory_space<vmem>>) target(%dma_start3A_308 : memref<32x128xf32, #tpu.memory_space<hbm>>) target_semaphore(%arg26 : memref<!tpu.dma_semaphore, #tpu.memory_space<semaphore_mem>>)
      %lt3A_309 = arith.constant 49 : i32
      %lt3A_310 = arith.cmpi slt, %scan3A_76, %lt3A_309 : i32
      %convert_element_type3A_311 = arith.extui %lt3A_310 : i1 to i32
      %cond3A_312 = arith.constant 0 : i32
      %cond3A_313 = arith.cmpi ne, %convert_element_type3A_311, %cond3A_312 : i32
      scf.if %cond3A_313 {
        %add3A_314 = arith.constant 4 : i32
        %add3A_315 = arith.addi %add3A_253, %add3A_314 : i32
        %scan3A_316 = arith.constant 0 : i32
        %scan3A_317 = arith.constant 0 : i32
        %scan3A_318 = arith.constant 8 : i32
        %scan3A_319 = arith.addi %scan3A_317, %scan3A_318 : i32
        %scan3A_320 = arith.constant 1 : i32
        scf.for %scan3A_325 = %scan3A_317 to %scan3A_319 step %scan3A_320  : i32 {
          %mul3A_326 = arith.constant 128 : i32
          %mul3A_327 = arith.muli %add3A_315, %mul3A_326 : i32
          %mul3A_328 = arith.constant 16 : i32
          %mul3A_329 = arith.muli %scan3A_325, %mul3A_328 : i32
          %add3A_330 = arith.addi %mul3A_327, %mul3A_329 : i32
          %get3A = arith.index_cast %add3A_330 : i32 to index
          %get3A_331 = tpu.vector_load %arg5[%get3A] {strides = array<i32>} : memref<25600xi32, #tpu.memory_space<vmem>>, vector<16xi32>,
          %shift_right_arithmetic3A = arith.constant 2 : i32
          %shift_right_arithmetic3A_332 = vector.broadcast %shift_right_arithmetic3A : i32 to vector<16xi32>
          %shift_right_arithmetic3A_333 = arith.shrsi %get3A_331, %shift_right_arithmetic3A_332 : vector<16xi32>
          %mul3A_334 = arith.constant 16 : i32
          %mul3A_335 = arith.muli %scan3A_325, %mul3A_334 : i32
          %swap3A = arith.index_cast %mul3A_335 : i32 to index
          %swap3A_336 = tpu.vector_load %arg9[%swap3A] {strides = array<i32>} : memref<128xi32, #tpu.memory_space<vmem>>, vector<16xi32>,
          tpu.vector_store %arg9[%swap3A], %shift_right_arithmetic3A_333 {strides = array<i32>} : memref<128xi32, #tpu.memory_space<vmem>>, vector<16xi32>,
        }
        %scan3A_321 = arith.constant 8 : i32
        %dma_start3A_322 = arith.constant 0 : i32
        %dma_start3A_323 = arith.constant 0 : i32
        %dma_start3A_324 = tpu.memref_slice %arg3[%dma_start3A_322, %dma_start3A_323] : memref<250000x128xf32, #tpu.memory_space<hbm>> -> memref<250000x128xf32, #tpu.memory_space<hbm>>
        tpu.enqueue_indirect_dma source(%dma_start3A_324 : memref<250000x128xf32, #tpu.memory_space<hbm>>) target(%arg13 : memref<128x128xf32, #tpu.memory_space<vmem>>) offsets(%arg9 : memref<128xi32, #tpu.memory_space<vmem>>) semaphore(%arg22 : memref<!tpu.dma_semaphore, #tpu.memory_space<semaphore_mem>>)
      } else {
      }
    }
    %scan3A_51 = arith.constant 50 : i32
    %add3A_52 = arith.constant 0 : i32
    %add3A_53 = arith.addi %mul3A_2, %add3A_52 : i32
    %dma_wait3A_54 = arith.constant 1568 : i32
    %dma_wait3A_55 = tpu.memref_slice %arg4[%dma_wait3A_54, %add3A_53] : memref<1600x16384xf32, #tpu.memory_space<hbm>> -> memref<32x128xf32, #tpu.memory_space<hbm>>
    %dma_wait3A_56 = arith.constant 1568 : i32
    %dma_wait3A_57 = tpu.memref_slice %arg4[%dma_wait3A_56, %add3A_53] : memref<1600x16384xf32, #tpu.memory_space<hbm>> -> memref<32x128xf32, #tpu.memory_space<hbm>>
    tpu.wait_dma2 semaphore(%arg23 : memref<!tpu.dma_semaphore, #tpu.memory_space<semaphore_mem>>) src(%arg14 : memref<32x128xf32, #tpu.memory_space<vmem>>) dst(%dma_wait3A_57 : memref<32x128xf32, #tpu.memory_space<hbm>>)
    %add3A_58 = arith.constant 128 : i32
    %add3A_59 = arith.addi %mul3A_2, %add3A_58 : i32
    %dma_wait3A_60 = arith.constant 1568 : i32
    %dma_wait3A_61 = tpu.memref_slice %arg4[%dma_wait3A_60, %add3A_59] : memref<1600x16384xf32, #tpu.memory_space<hbm>> -> memref<32x128xf32, #tpu.memory_space<hbm>>
    %dma_wait3A_62 = arith.constant 1568 : i32
    %dma_wait3A_63 = tpu.memref_slice %arg4[%dma_wait3A_62, %add3A_59] : memref<1600x16384xf32, #tpu.memory_space<hbm>> -> memref<32x128xf32, #tpu.memory_space<hbm>>
    tpu.wait_dma2 semaphore(%arg24 : memref<!tpu.dma_semaphore, #tpu.memory_space<semaphore_mem>>) src(%arg15 : memref<32x128xf32, #tpu.memory_space<vmem>>) dst(%dma_wait3A_63 : memref<32x128xf32, #tpu.memory_space<hbm>>)
    %add3A_64 = arith.constant 256 : i32
    %add3A_65 = arith.addi %mul3A_2, %add3A_64 : i32
    %dma_wait3A_66 = arith.constant 1568 : i32
    %dma_wait3A_67 = tpu.memref_slice %arg4[%dma_wait3A_66, %add3A_65] : memref<1600x16384xf32, #tpu.memory_space<hbm>> -> memref<32x128xf32, #tpu.memory_space<hbm>>
    %dma_wait3A_68 = arith.constant 1568 : i32
    %dma_wait3A_69 = tpu.memref_slice %arg4[%dma_wait3A_68, %add3A_65] : memref<1600x16384xf32, #tpu.memory_space<hbm>> -> memref<32x128xf32, #tpu.memory_space<hbm>>
    tpu.wait_dma2 semaphore(%arg25 : memref<!tpu.dma_semaphore, #tpu.memory_space<semaphore_mem>>) src(%arg16 : memref<32x128xf32, #tpu.memory_space<vmem>>) dst(%dma_wait3A_69 : memref<32x128xf32, #tpu.memory_space<hbm>>)
    %add3A_70 = arith.constant 384 : i32
    %add3A_71 = arith.addi %mul3A_2, %add3A_70 : i32
    %dma_wait3A_72 = arith.constant 1568 : i32
    %dma_wait3A_73 = tpu.memref_slice %arg4[%dma_wait3A_72, %add3A_71] : memref<1600x16384xf32, #tpu.memory_space<hbm>> -> memref<32x128xf32, #tpu.memory_space<hbm>>
    %dma_wait3A_74 = arith.constant 1568 : i32
    %dma_wait3A_75 = tpu.memref_slice %arg4[%dma_wait3A_74, %add3A_71] : memref<1600x16384xf32, #tpu.memory_space<hbm>> -> memref<32x128xf32, #tpu.memory_space<hbm>>
    tpu.wait_dma2 semaphore(%arg26 : memref<!tpu.dma_semaphore, #tpu.memory_space<semaphore_mem>>) src(%arg17 : memref<32x128xf32, #tpu.memory_space<vmem>>) dst(%dma_wait3A_75 : memref<32x128xf32, #tpu.memory_space<hbm>>)
    return
  }
}

</mosaic_0001>

<sc_bundles>
// kernel: kernel.3.cloned.1.call-start
scs
__scs_entry_jumppad:
0x0: {  	(pc) =	sbr.rel $0x88, $3  }
0x1: {  	(tag) =	ssettag $0x0;
	lr =	simm.s32 $0x1  }
0x2: {  	[smem:$0x3F9F] =	sst lr;
	_ =	strace $0xD0000000  }
0x3: {  	_ = 	snop  }
0x4: {  	_ = 	snop  }
0x5: {  	_ = 	snop  }
0x6: {  	_ = 	snop  }
0x7: {  	_ = 	snop  }
__scs_overlays_trampoline_lowered:
0x8: {  	[smem:$0x3FAE] =	sst s0  }
0x9: {  	[smem:$0x3FAF] =	sst s1  }
0xa: {  	[smem:$0x3FB0] =	sst s2  }
0xb: {  	[smem:$0x3FB1] =	sst s3  }
0xc: {  	[smem:$0x3FB2] =	sst s4  }
0xd: {  	[smem:$0x3FB3] =	sst s5  }
0xe: {  	[smem:$0x3FB4] =	sst s6  }
0xf: {  	[smem:$0x3FB5] =	sst s7  }
0x10: {  	[smem:$0x3FB6] =	sst s8  }
0x11: {  	[smem:$0x3FB7] =	sst s9;
	s0 =	simm.s32 @!p0 $0x0  }
0x12: {  	s1 =	sld [smem:$0x3F9D];
	s0 =	simm.s32 @p0 $0x1  }
0x13: {  	[smem:$0x3FB8] =	sst s0;
	s0 =	simm.s32 @!p1 $0x0  }
0x14: {  	s2 =	sld [smem:$0x3F9C];
	s0 =	simm.s32 @p1 $0x1  }
0x15: {  	[smem:$0x3FB9] =	sst s0;
	s0 =	simm.s32 @!p2 $0x0  }
0x16: {  	s3 =	sld [smem:$0x3FDB];
	s0 =	simm.s32 @p2 $0x1  }
0x17: {  	s4 =	simm.s32 $0x1BF5;
	[smem:$0x3FBB] =	sst s0  }
0x18: {  	s0 =	sld [smem:$0x3F9E];
	_ =	swait.ge [sflag:s4], $0x0  }
0x19: {  	s7 =	sld [smem:$0x3F9F]  }
0x1a: {  	s8 =	sadd.s32 $0xFFFFE003, lr  }
0x1b: {  	s9 =	sadd.s32 $0xFFFFFEF7, lr;
	s5 =	simm.s32 $0xFFFFFFFF;
	p2 =	slt.u32 s8, $0xFFFFF086  }
0x1c: {  	p1 =	slt.u32 s9, $0xF7A;
	s5 =	simm.s32 @!p2 $0x0  }
0x1d: {  	s5 =	simm.s32 @p1 $0x1;
	p0 =	seq.s32 s7, s2  }
0x1e: {  	s7 =	smul.u32 @!p0 $0xF7A, s2;
	p2 =	seq.s32 @!p0 s5, $0x0  }
0x1f: {  	s9 =	smul.u32 $0xF7A, s1;
	s8 =	simm.s32 @!p0 $0x1BF5;
	p2 =	por !p2, p0  }
0x20: {  	[sflag:s8] =	ssyncset.s32 @!p0 $0xFFFFF086;
	s6 =	sadd.s32 @!p0 s3, s7;
	s7 =	simm.s32 @!p0 $0x108  }
0x21: {  	s3 =	sadd.s32 s3, s9;
	s6 =	sadd.s32 @!p0 $0x88, s6;
	s7 =	simm.s32 @p2 $0x1082  }
0x22: {  	[simem:s7], [sflag:s8] =	dma.local @!p0 [hbm:s6], $0xF7A  }
0x23: {  	s9 =	sor.u32 $0xD0000000, s2;
	s6 =	simm.s32 $0x108;
	_ =	swait.ge @!p0 [sflag:s8], $0x0  }
0x24: {  	s3 =	sadd.s32 $0x88, s3;
	s6 =	simm.s32 @!p1 $0x1082;
	[sflag:s4] =	ssyncset.s32 $0xFFFFF086  }
0x25: {  	[simem:s6], [sflag:s4] =	dma.local [hbm:s3], $0xF7A  }
0x26: {  	[smem:$0x3F9F] =	sst s1;
	(tag) =	ssettag s2;
	_ =	strace s9  }
0x27: {  	s1 =	sld [smem:$0x3FAF]  }
0x28: {  	s2 =	sld [smem:$0x3FB0]  }
0x29: {  	s4 =	sld [smem:$0x3FB2]  }
0x2a: {  	p0 =	seq.s32 s5, $0x0;
	s5 =	sld [smem:$0x3FB3]  }
0x2b: {  	s6 =	sld [smem:$0x3FB4]  }
0x2c: {  	s7 =	sld [smem:$0x3FB5]  }
0x2d: {  	s3 =	simm.s32 $0x108;
	s8 =	sld [smem:$0x3FB6]  }
0x2e: {  	s3 =	simm.s32 @!p0 $0x1082;
	s9 =	sld [smem:$0x3FB7]  }
0x2f: {  	lr =	sadd.s32 s0, s3;
	s0 =	sld [smem:$0x3FAE]  }
0x30: {  	s3 =	sld [smem:$0x3FB1]  }
0x31: {  	[smem:$0x3FBA] =	sst s10  }
0x32: {  	s10 =	sld [smem:$0x3FB8];
	_ =	sdelay $0x3  }
0x33: {  	p0 =	seq.s32 s10, $0x1;
	s10 =	sld [smem:$0x3FBA];
	_ =	sdelay $0x3  }
0x34: {  	[smem:$0x3FBA] =	sst s10  }
0x35: {  	s10 =	sld [smem:$0x3FB9];
	_ =	sdelay $0x3  }
0x36: {  	p1 =	seq.s32 s10, $0x1;
	s10 =	sld [smem:$0x3FBA];
	_ =	sdelay $0x3  }
0x37: {  	[smem:$0x3FBA] =	sst s10  }
0x38: {  	s10 =	sld [smem:$0x3FBB]  }
0x39: {  	_ = 	snop;
	(pc) =	sbr.ind lr, $3  }
0x3a: {  	_ = 	snop  }
0x3b: {  	_ = 	snop  }
0x3c: {  	p2 =	seq.s32 s10, $0x1;
	s10 =	sld [smem:$0x3FBA]  }
0x3d: {  	_ =	shalt  }
0x3e: {  	_ =	shalt  }
0x3f: {  	_ =	shalt  }
0x40: {  	_ =	shalt  }
0x41: {  	_ =	shalt  }
0x42: {  	_ =	shalt  }
0x43: {  	_ =	shalt  }
0x44: {  	_ =	shalt  }
0x45: {  	_ =	shalt  }
0x46: {  	_ =	shalt  }
0x47: {  	_ =	shalt  }
0x48: {  	_ =	shalt  }
0x49: {  	_ =	shalt  }
0x4a: {  	_ =	shalt  }
0x4b: {  	_ =	shalt  }
0x4c: {  	_ =	shalt  }
0x4d: {  	_ =	shalt  }
0x4e: {  	_ =	shalt  }
0x4f: {  	_ =	shalt  }
0x50: {  	_ =	shalt  }
0x51: {  	_ =	shalt  }
0x52: {  	_ =	shalt  }
0x53: {  	_ =	shalt  }
0x54: {  	_ =	shalt  }
0x55: {  	_ =	shalt  }
0x56: {  	_ =	shalt  }
0x57: {  	_ =	shalt  }
0x58: {  	_ =	shalt  }
0x59: {  	_ =	shalt  }
0x5a: {  	_ =	shalt  }
0x5b: {  	_ =	shalt  }
0x5c: {  	_ =	shalt  }
0x5d: {  	_ =	shalt  }
0x5e: {  	_ =	shalt  }
0x5f: {  	_ =	shalt  }
0x60: {  	_ =	shalt  }
0x61: {  	_ =	shalt  }
0x62: {  	_ =	shalt  }
0x63: {  	_ =	shalt  }
0x64: {  	_ =	shalt  }
0x65: {  	_ =	shalt  }
0x66: {  	_ =	shalt  }
0x67: {  	_ =	shalt  }
0x68: {  	_ =	shalt  }
0x69: {  	_ =	shalt  }
0x6a: {  	_ =	shalt  }
0x6b: {  	_ =	shalt  }
0x6c: {  	_ =	shalt  }
0x6d: {  	_ =	shalt  }
0x6e: {  	_ =	shalt  }
0x6f: {  	_ =	shalt  }
0x70: {  	_ =	shalt  }
0x71: {  	_ =	shalt  }
0x72: {  	_ =	shalt  }
0x73: {  	_ =	shalt  }
0x74: {  	_ =	shalt  }
0x75: {  	_ =	shalt  }
0x76: {  	_ =	shalt  }
0x77: {  	_ =	shalt  }
0x78: {  	_ =	shalt  }
0x79: {  	_ =	shalt  }
0x7a: {  	_ =	shalt  }
0x7b: {  	_ =	shalt  }
0x7c: {  	_ =	shalt  }
0x7d: {  	_ =	shalt  }
0x7e: {  	_ =	shalt  }
0x7f: {  	_ =	shalt  }
0x80: {  	_ =	shalt  }
0x81: {  	_ =	shalt  }
0x82: {  	_ =	shalt  }
0x83: {  	_ =	shalt  }
0x84: {  	_ =	shalt  }
0x85: {  	_ =	shalt  }
0x86: {  	_ =	shalt  }
0x87: {  	_ =	shalt  }
.Lfunc_end0:
.L_simem_size_0:
called_computation_lowered:
.L_overlay_start_0:
0x88: {  	s2 =	sld [smem:$0x3FD9]  }
0x89: {  	s3 =	sld [smem:$0x3FFE];
	_ =	sdelay $0x1  }
0x8a: {  	s1 =	srdreg.scid  }
0x8b: {  	s0 =	sand.u32 $0x1, s1  }
0x8c: {  	s17 =	sshll.u32 s0, $0xA;
	s2 =	sadd.s32 s3, s2  }
0x8d: {  	s2 =	sadd.s32 s2, s17  }
0x8e: {  	[smem:$0x3FC6] =	sst s2  }
0x8f: {  	_ = 	snop  }
0x90: {  	s2 =	sld [smem:$0x3FD0];
	(tm) =	ssettm $0x1  }
0x91: {  	s18 =	sld [smem:$0x3FFB];
	_ =	sdelay $0x3  }
0x92: {  	_ =	strace s18  }
0x93: {  	s3 =	sld [smem:$0x3FFC];
	_ =	sdelay $0x3  }
0x94: {  	_ =	strace s3  }
0x95: {  	s3 =	sld [smem:$0x3FFD];
	_ =	sdelay $0x3  }
0x96: {  	_ =	strace s3  }
0x97: {  	_ =	strace $0x8FFFFFFF  }
0x98: {  	s19 =	sld [smem:$0x3FDB];
	_ =	sdelay $0x1  }
0x99: {  	s4 =	simm.s32 $_scs_section_size  }
0x9a: {  	s5 =	simm.s32 $_size__tile_overlayer_lowered;
	s6 =	simm.s32 $_tile_overlayer_lowered  }
0x9b: {  	s22 =	simm.s32 $0x1BFF;
	s21 =	sshll.u32 s6, $0x1;
	s3 =	sadd.s32 s4, s19  }
0x9c: {  	s7 =	simm.s32 $0x0;
	s20 =	sshll.u32 s5, $0x1;
	s5 =	sadd.s32 s21, s3  }
0x9d: {  	[timem:s7], [sflag:s22] =	dma.local [hbm:s5], s20  }
0x9e: {  	_ =	swait.ge [sflag:s22], s20  }
0x9f: {  	s4 =	ssub.s32 $0x0, s20;
	[sflag:s22] =	ssyncset.done $0x0  }
0xa0: {  	[sflag:s22] =	ssyncadd.s32 s4;
	_ =	sdelay $0x1  }
0xa1: {  	s23 =	simm.s32 $0x1B8B  }
0xa2: {  	_ =	swait.ge [sflag:s23], $0x1  }
0xa3: {  	[sflag:s23] =	ssyncset.done $0x0  }
0xa4: {  	s25 =	simm.s32 $0x1B8E;
	s24 =	sld [smem:$0x3FFE];
	[sflag:s23] =	ssyncadd.s32 $0xFFFFFFFF  }
0xa5: {  	s26 =	simm.s32 $execute0_lowered;
	[smem:$0x3FD2] =	sst s25  }
0xa6: {  	s5 =	sshll.u32 s26, $0x1;
	_ =	strace $0x80000046;
	[dreg:$0x1] =	wrdreg $0xFFFFFFFF  }
0xa7: {  	s28 =	simm.s32 $_size_execute0_lowered;
	s3 =	sadd.s32 s3, s5;
	[dreg:$0x0] =	wrdreg $0x0  }
0xa8: {  	s5 =	sshll.u32 s28, $0x1;
	[dreg:$0x2] =	wrdreg s3  }
0xa9: {  	[dreg:$0x3] =	wrdreg s5  }
0xaa: {  	[dreg:$0x4] =	wrdreg $0xC0  }
0xab: {  	_ =	task [dreg:s7], $0x5FFFF  }
0xac: {  	[dreg:$0x1] =	wrdreg $0xFFFFFFFF  }
0xad: {  	[dreg:$0x0] =	wrdreg $0x60  }
0xae: {  	[dreg:$0x2] =	wrdreg s2  }
0xaf: {  	[dreg:$0x3] =	wrdreg s24  }
0xb0: {  	[dreg:$0x4] =	wrdreg $0x9  }
0xb1: {  	_ =	task.clear_ibuf [dreg:s7], $0x5FFFF;
	_ =	strace $0x90000046  }
0xb2: {  	s29 =	simm.s32 $0x9;
	_ =	strace $0x80000048  }
0xb3: {  	_ =	swait.ge [sflag:s29], $0x1  }
0xb4: {  	[sflag:s29] =	ssyncadd.s32 $0xFFFFFFFF  }
0xb5: {  	_ =	strace $0x90000048  }
0xb6: {  	_ =	sfence  }
0xb7: {  	s30 =	sld [smem:$0x0];
	_ =	sdelay $0x2  }
0xb8: {  	s31 =	sshll.u32 s1, $0xD;
	s1 =	sshrl.u32 s1, $0x2  }
0xb9: {  	s3 =	sand.u32 $0x4000, s31;
	s1 =	sadd.s32 s1, s30  }
0xba: {  	s0 =	sor.u32 s3, s0;
	s1 =	sshll.u32 s1, $0x11  }
0xbb: {  	s0 =	sor.u32 s1, s0  }
0xbc: {  	s0 =	sadd.s32 $0x8F2B, s0  }
0xbd: {  	[sflag:s0] =	ssyncadd.remote.s32 $0x1  }
0xbe: {  	_ =	sfence.sel $0xFFFF  }
0xbf: {  	[dreg:$0x0] =	wrdreg $0xFFFFFFFF;
	(pc) =	sbr.abs _section_cstart, $3  }
0xc0: {  	[dreg:$0x1] =	wrdreg $0xFFFFFFFF  }
0xc1: {  	_ =	task.clear_ibuf [dreg:s7], $0x2FFFF;
	_ =	strace $0x9FFFFFFF  }
0xc2: {  	(tm) =	ssettm $0x7FFFFFFF  }
0xc3: {  	_ =	shalt  }
tec
execute0_lowered:
.L_overlay_start_1:
0x0: {  	(tag) =	ssettag $0x1  }
0x1: {  	s0 =	rddreg [dreg:$0x0]  }
0x2: {  	s1 =	rddreg [dreg:$0x1];
	s2 =	srdreg.scid  }
0x3: {  	s4 =	stileid.u32;
	s8 =	simm.s32 $0x80;
	s9 =	simm.s32 $0x6400  }
0x4: {  	s10 =	simm.s32 $0x6600;
	s11 =	simm.s32 $0x6480;
	s12 =	simm.s32 $0xA600  }
0x5: {  	s13 =	simm.s32 $0x6500;
	s14 =	simm.s32 $0xE600;
	s15 =	simm.s32 $0x6580  }
0x6: {  	s16 =	simm.s32 $0x12600;
	s17 =	simm.s32 $0x2;
	s18 =	simm.s32 $0x4000  }
0x7: {  	s19 =	simm.s32 $0x16600;
	s20 =	simm.s32 $0x3;
	s21 =	simm.s32 $0x7  }
0x8: {  	s22 =	simm.s32 $0x17600;
	s23 =	simm.s32 $0x4;
	s24 =	simm.s32 $0x8  }
0x9: {  	s25 =	simm.s32 $0x18600;
	s28 =	simm.s32 $0x9;
	s29 =	simm.s32 $0x19600  }
0xa: {  	s30 =	simm.s32 $0x6;
	s31 =	simm.s32 $0x0;
	s3 =	sand.u32 $0x1, s2  }
0xb: {  	s2 =	simm.s32 $0x0;
	s4 =	sshll.u32 s4, $0xA;
	s5 =	sshll.u32 s3, $0x9  }
.Ltmp0:
0xc: {  	[smem:$0x7FF] =	sst s2;
	s26 =	ssub.s32 $0x2, s3;
	(pc) =	sbr.rel .LBB2_1-.Ltmp0, $4  }
0xd: {  	s3 =	sadd.s32 $0xF42A00, s1;
	s4 =	sor.u32 s5, s4;
	s6 =	sshrl.u32 s26, $0x1  }
0xe: {  	_ =	strace $0x80000047;
	s4 =	sshrl.u32 s4, $0x3;
	s5 =	ssub.s32 s26, s6  }
0xf: {  	s26 =	simm.s32 $0x5;
	s1 =	sadd.s32 s4, s1;
	s5 =	smax.u32 s5, $0x1  }
0x10: {  	[dreg:$0x3] =	wrdreg s5;
	s5 =	sadd.s32 s4, s0;
	s6 =	sadd.s32 $0x600, s1  }
.LBB2_18:
0x11: {  	_ =	swait.ge [sflag:s30], $0x1000  }
0x12: {  	[sflag:s30] =	ssyncset.done $0x0  }
0x13: {  	[sflag:s30] =	ssyncadd.s32 $0xFFFFF000  }
0x14: {  	_ =	swait.ge [sflag:s21], $0x1000  }
0x15: {  	[sflag:s21] =	ssyncset.done $0x0  }
0x16: {  	[sflag:s21] =	ssyncadd.s32 $0xFFFFF000  }
0x17: {  	_ =	swait.ge [sflag:s24], $0x1000  }
0x18: {  	[sflag:s24] =	ssyncset.done $0x0  }
0x19: {  	[sflag:s24] =	ssyncadd.s32 $0xFFFFF000  }
0x1a: {  	_ =	swait.ge [sflag:s28], $0x1000  }
0x1b: {  	s31 =	sadd.s32 $0x1, s31;
	s0 =	rddreg [dreg:$0x3]  }
0x1c: {  	p0 =	sne.s32 s31, s0  }
.Ltmp1:
0x1d: {  	_ = 	snop;
	(pc) =	sbr.rel @!p0 .LBB2_19-.Ltmp1, $3  }
0x1e: {  	_ =	sdelay $0x1  }
0x1f: {  	[sflag:s28] =	ssyncset.done $0x0  }
0x20: {  	[sflag:s28] =	ssyncadd.s32 $0xFFFFF000  }
.LBB2_1:
0x21: {  	s0 =	simm.s32 $0x800;
	s1 =	simm.s32 $0x0;
	s4 =	sadd.s32 $0x0, s5  }
.LBB2_2:
0x22: {  	[tilespmem:s1], [sflag:$0x1] =	stream.linear.gather [hbm4b:s4+s2], $0x200, $0x38;
	[tilespmem:$0x1A600] =	vst v63  }
0x23: {  	s4 =	smov.u32 s0;
	p0 =	sne.s32 s0, $0x18800  }
.Ltmp2:
0x24: {  	s0 =	sadd.s32 $0x800, s0;
	(pc) =	sbr.rel @p0 .LBB2_2-.Ltmp2, $2  }
0x25: {  	_ =	sdelay $0x2  }
0x26: {  	s1 =	sshra.s32 s4, $0x2;
	s4 =	sadd.s32 s4, s5  }
0x27: {  	[tilespmem:s1], [sflag:$0x1] =	stream.linear.gather [hbm4b:s4+s2], $0x200, $0x38;
	[tilespmem:$0x1A600] =	vst v63  }
0x28: {  	s0 =	simm.s32 $0x1  }
0x29: {  	_ =	swait.ge [sflag:s0], $0x6400  }
0x2a: {  	[sflag:s0] =	ssyncset.done $0x0  }
0x2b: {  	[sflag:s0] =	ssyncadd.s32 $0xFFFF9C00  }
0x2c: {  	v0 =	vld [tilespmem:$0x0]  }
0x2d: {  	v1 =	vld [tilespmem:$0x10]  }
0x2e: {  	v2 =	vld [tilespmem:$0x20]  }
0x2f: {  	v3 =	vld [tilespmem:$0x30]  }
0x30: {  	v4 =	vld [tilespmem:$0x40]  }
0x31: {  	v5 =	vld [tilespmem:$0x50];
	v0 =	vshra.s32 v0, $0x2  }
0x32: {  	v11 =	vld [tilespmem:$0x60];
	v10 =	vshra.s32 v1, $0x2;
	[tilespmem:$0x6400] =	vst v0  }
0x33: {  	v13 =	vld [tilespmem:$0x70];
	v12 =	vshra.s32 v2, $0x2;
	[tilespmem:$0x6410] =	vst v10  }
0x34: {  	v14 =	vshra.s32 v3, $0x2;
	[tilespmem:$0x6420] =	vst v12  }
0x35: {  	v15 =	vshra.s32 v4, $0x2;
	[tilespmem:$0x6430] =	vst v14  }
0x36: {  	v16 =	vshra.s32 v5, $0x2;
	[tilespmem:$0x6440] =	vst v15  }
0x37: {  	v17 =	vshra.s32 v11, $0x2;
	[tilespmem:$0x6450] =	vst v16  }
0x38: {  	v18 =	vshra.s32 v13, $0x2;
	[tilespmem:$0x6460] =	vst v17  }
0x39: {  	[tilespmem:$0x6470] =	vst v18  }
0x3a: {  	[tilespmem:s10], [sflag:$0x2] =	stream.indirect.gather [hbm4b:s3+s8], $0x80, s9, s8, $0xb8;
	[tilespmem:$0x1A600] =	vst v63  }
0x3b: {  	v19 =	vld [tilespmem:$0x80]  }
0x3c: {  	v20 =	vld [tilespmem:$0x90]  }
0x3d: {  	v21 =	vld [tilespmem:$0xA0]  }
0x3e: {  	v22 =	vld [tilespmem:$0xB0]  }
0x3f: {  	v23 =	vld [tilespmem:$0xC0]  }
0x40: {  	v24 =	vld [tilespmem:$0xD0];
	v0 =	vshra.s32 v19, $0x2  }
0x41: {  	v26 =	vld [tilespmem:$0xE0];
	v25 =	vshra.s32 v20, $0x2;
	[tilespmem:$0x6480] =	vst v0  }
0x42: {  	v28 =	vld [tilespmem:$0xF0];
	v27 =	vshra.s32 v21, $0x2;
	[tilespmem:$0x6490] =	vst v25  }
0x43: {  	v29 =	vshra.s32 v22, $0x2;
	[tilespmem:$0x64A0] =	vst v27  }
0x44: {  	v30 =	vshra.s32 v23, $0x2;
	[tilespmem:$0x64B0] =	vst v29  }
0x45: {  	v31 =	vshra.s32 v24, $0x2;
	[tilespmem:$0x64C0] =	vst v30  }
0x46: {  	v32 =	vshra.s32 v26, $0x2;
	[tilespmem:$0x64D0] =	vst v31  }
0x47: {  	v33 =	vshra.s32 v28, $0x2;
	[tilespmem:$0x64E0] =	vst v32  }
0x48: {  	[tilespmem:$0x64F0] =	vst v33  }
0x49: {  	[tilespmem:s12], [sflag:$0x3] =	stream.indirect.gather [hbm4b:s3+s8], $0x80, s11, s8, $0xb8;
	[tilespmem:$0x1A600] =	vst v63  }
0x4a: {  	v34 =	vld [tilespmem:$0x100]  }
0x4b: {  	v35 =	vld [tilespmem:$0x110]  }
0x4c: {  	v36 =	vld [tilespmem:$0x120]  }
0x4d: {  	v37 =	vld [tilespmem:$0x130]  }
0x4e: {  	v38 =	vld [tilespmem:$0x140]  }
0x4f: {  	v39 =	vld [tilespmem:$0x150];
	v0 =	vshra.s32 v34, $0x2  }
0x50: {  	v41 =	vld [tilespmem:$0x160];
	v40 =	vshra.s32 v35, $0x2;
	[tilespmem:$0x6500] =	vst v0  }
0x51: {  	v43 =	vld [tilespmem:$0x170];
	v42 =	vshra.s32 v36, $0x2;
	[tilespmem:$0x6510] =	vst v40  }
0x52: {  	v44 =	vshra.s32 v37, $0x2;
	[tilespmem:$0x6520] =	vst v42  }
0x53: {  	v45 =	vshra.s32 v38, $0x2;
	[tilespmem:$0x6530] =	vst v44  }
0x54: {  	v46 =	vshra.s32 v39, $0x2;
	[tilespmem:$0x6540] =	vst v45  }
0x55: {  	v47 =	vshra.s32 v41, $0x2;
	[tilespmem:$0x6550] =	vst v46  }
0x56: {  	v48 =	vshra.s32 v43, $0x2;
	[tilespmem:$0x6560] =	vst v47  }
0x57: {  	[tilespmem:$0x6570] =	vst v48  }
0x58: {  	[tilespmem:s14], [sflag:$0x4] =	stream.indirect.gather [hbm4b:s3+s8], $0x80, s13, s8, $0xb8;
	[tilespmem:$0x1A600] =	vst v63  }
0x59: {  	v49 =	vld [tilespmem:$0x180]  }
0x5a: {  	v50 =	vld [tilespmem:$0x190]  }
0x5b: {  	v51 =	vld [tilespmem:$0x1A0]  }
0x5c: {  	v52 =	vld [tilespmem:$0x1B0]  }
0x5d: {  	v53 =	vld [tilespmem:$0x1C0]  }
0x5e: {  	v54 =	vld [tilespmem:$0x1D0];
	v0 =	vshra.s32 v49, $0x2  }
0x5f: {  	v56 =	vld [tilespmem:$0x1E0];
	v55 =	vshra.s32 v50, $0x2;
	[tilespmem:$0x6580] =	vst v0  }
0x60: {  	v58 =	vld [tilespmem:$0x1F0];
	v57 =	vshra.s32 v51, $0x2;
	[tilespmem:$0x6590] =	vst v55  }
0x61: {  	v59 =	vshra.s32 v52, $0x2;
	[tilespmem:$0x65A0] =	vst v57  }
0x62: {  	v60 =	vshra.s32 v53, $0x2;
	[tilespmem:$0x65B0] =	vst v59  }
0x63: {  	v61 =	vshra.s32 v54, $0x2;
	[tilespmem:$0x65C0] =	vst v60  }
0x64: {  	v62 =	vshra.s32 v56, $0x2;
	[tilespmem:$0x65D0] =	vst v61  }
0x65: {  	v63 =	vshra.s32 v58, $0x2;
	[tilespmem:$0x65E0] =	vst v62  }
0x66: {  	s1 =	simm.s32 $0x3F0;
	s0 =	simm.s32 $0x0;
	[tilespmem:$0x65F0] =	vst v63  }
0x67: {  	[tilespmem:s16], [sflag:$0x5] =	stream.indirect.gather [hbm4b:s3+s8], $0x80, s15, s8, $0xb8;
	[tilespmem:$0x1A600] =	vst v63  }
.LBB2_4:
0x68: {  	_ =	swait.ge [sflag:s17], $0x4000  }
0x69: {  	p1 =	seq.s32 s0, $0x0;
	p0 =	seq.s32 s0, $0x310000;
	[sflag:s17] =	ssyncset.done $0x0  }
.Ltmp3:
0x6a: {  	s4 =	simm.s32 @!p1 $0x6;
	[sflag:s17] =	ssyncadd.s32 $0xFFFFC000;
	(pc) =	sbr.rel @!p0 .LBB2_5-.Ltmp3, $4  }
0x6b: {  	_ =	swait.ge @!p1 [sflag:s4], $0x1000  }
0x6c: {  	[sflag:s4] =	ssyncset.done @!p1 $0x0  }
0x6d: {  	[sflag:s4] =	ssyncadd.s32 @!p1 $0xFFFFF000;
	s4 =	sadd.s32 s0, s6  }
0x6e: {  	[hbm4b:s4+s8] =	stream.strided.scatter [tilespmem:s19], [sflag:$0x6], $0x1000, s18, s8, $0x38;
	[tilespmem:$0x1A600] =	vst v63  }
.Ltmp4:
0x6f: {  	(pc) =	sbr.rel .LBB2_7-.Ltmp4, $4  }
0x70: {  	_ = 	snop  }
0x71: {  	_ =	swait.ge [sflag:s20], $0x4000  }
0x72: {  	[sflag:s20] =	ssyncset.done $0x0  }
0x73: {  	[sflag:s20] =	ssyncadd.s32 $0xFFFFC000  }
.LBB2_5:
0x74: {  	v0 =	vld [tilespmem:s1+$0xFFFFFE10];
	_ =	sdelay $0x4  }
0x75: {  	v0 =	vshra.s32 v0, $0x2  }
0x76: {  	[tilespmem:$0x6400] =	vst v0  }
0x77: {  	v0 =	vld [tilespmem:s1+$0xFFFFFE20];
	_ =	sdelay $0x4  }
0x78: {  	v0 =	vshra.s32 v0, $0x2  }
0x79: {  	[tilespmem:$0x6410] =	vst v0  }
0x7a: {  	v0 =	vld [tilespmem:s1+$0xFFFFFE30];
	_ =	sdelay $0x4  }
0x7b: {  	v0 =	vshra.s32 v0, $0x2  }
0x7c: {  	[tilespmem:$0x6420] =	vst v0  }
0x7d: {  	v0 =	vld [tilespmem:s1+$0xFFFFFE40];
	_ =	sdelay $0x4  }
0x7e: {  	v0 =	vshra.s32 v0, $0x2  }
0x7f: {  	[tilespmem:$0x6430] =	vst v0  }
0x80: {  	v0 =	vld [tilespmem:s1+$0xFFFFFE50];
	_ =	sdelay $0x4  }
0x81: {  	v0 =	vshra.s32 v0, $0x2  }
0x82: {  	[tilespmem:$0x6440] =	vst v0  }
0x83: {  	v0 =	vld [tilespmem:s1+$0xFFFFFE60];
	_ =	sdelay $0x4  }
0x84: {  	v0 =	vshra.s32 v0, $0x2  }
0x85: {  	[tilespmem:$0x6450] =	vst v0  }
0x86: {  	v0 =	vld [tilespmem:s1+$0xFFFFFE70];
	_ =	sdelay $0x4  }
0x87: {  	v0 =	vshra.s32 v0, $0x2  }
0x88: {  	[tilespmem:$0x6460] =	vst v0  }
0x89: {  	v0 =	vld [tilespmem:s1+$0xFFFFFE80];
	_ =	sdelay $0x4  }
0x8a: {  	v0 =	vshra.s32 v0, $0x2  }
.Ltmp5:
0x8b: {  	[tilespmem:$0x6470] =	vst v0;
	(pc) =	sbr.rel @p1 .LBB2_8-.Ltmp5, $4  }
0x8c: {  	[tilespmem:s10], [sflag:$0x2] =	stream.indirect.gather [hbm4b:s3+s8], $0x80, s9, s8, $0xb8;
	[tilespmem:$0x1A600] =	vst v63  }
0x8d: {  	_ =	swait.ge [sflag:s20], $0x4000  }
0x8e: {  	[sflag:s20] =	ssyncset.done $0x0  }
0x8f: {  	[sflag:s20] =	ssyncadd.s32 $0xFFFFC000  }
.LBB2_7:
0x90: {  	_ =	swait.ge [sflag:s21], $0x1000  }
0x91: {  	[sflag:s21] =	ssyncset.done $0x0  }
0x92: {  	[sflag:s21] =	ssyncadd.s32 $0xFFFFF000  }
.LBB2_8:
.Ltmp6:
0x93: {  	(pc) =	sbr.rel @!p0 .LBB2_9-.Ltmp6, $3  }
0x94: {  	_ =	sdelay $0x1  }
0x95: {  	s7 =	sadd.s32 $0x10, s4  }
0x96: {  	[hbm4b:s7+s8] =	stream.strided.scatter [tilespmem:s22], [sflag:$0x7], $0x1000, s18, s8, $0x38;
	[tilespmem:$0x1A600] =	vst v63  }
.Ltmp7:
0x97: {  	(pc) =	sbr.rel .LBB2_11-.Ltmp7, $4  }
0x98: {  	_ = 	snop  }
0x99: {  	_ =	swait.ge [sflag:s23], $0x4000  }
0x9a: {  	[sflag:s23] =	ssyncset.done $0x0  }
0x9b: {  	[sflag:s23] =	ssyncadd.s32 $0xFFFFC000  }
.LBB2_9:
0x9c: {  	v0 =	vld [tilespmem:s1+$0xFFFFFE90];
	_ =	sdelay $0x4  }
0x9d: {  	v0 =	vshra.s32 v0, $0x2  }
0x9e: {  	[tilespmem:$0x6480] =	vst v0  }
0x9f: {  	v0 =	vld [tilespmem:s1+$0xFFFFFEA0];
	_ =	sdelay $0x4  }
0xa0: {  	v0 =	vshra.s32 v0, $0x2  }
0xa1: {  	[tilespmem:$0x6490] =	vst v0  }
0xa2: {  	v0 =	vld [tilespmem:s1+$0xFFFFFEB0];
	_ =	sdelay $0x4  }
0xa3: {  	v0 =	vshra.s32 v0, $0x2  }
0xa4: {  	[tilespmem:$0x64A0] =	vst v0  }
0xa5: {  	v0 =	vld [tilespmem:s1+$0xFFFFFEC0];
	_ =	sdelay $0x4  }
0xa6: {  	v0 =	vshra.s32 v0, $0x2  }
0xa7: {  	[tilespmem:$0x64B0] =	vst v0  }
0xa8: {  	v0 =	vld [tilespmem:s1+$0xFFFFFED0];
	_ =	sdelay $0x4  }
0xa9: {  	v0 =	vshra.s32 v0, $0x2  }
0xaa: {  	[tilespmem:$0x64C0] =	vst v0  }
0xab: {  	v0 =	vld [tilespmem:s1+$0xFFFFFEE0];
	_ =	sdelay $0x4  }
0xac: {  	v0 =	vshra.s32 v0, $0x2  }
0xad: {  	[tilespmem:$0x64D0] =	vst v0  }
0xae: {  	v0 =	vld [tilespmem:s1+$0xFFFFFEF0];
	_ =	sdelay $0x4  }
0xaf: {  	v0 =	vshra.s32 v0, $0x2  }
0xb0: {  	[tilespmem:$0x64E0] =	vst v0  }
0xb1: {  	v0 =	vld [tilespmem:s1+$0xFFFFFF00];
	_ =	sdelay $0x4  }
0xb2: {  	v0 =	vshra.s32 v0, $0x2  }
.Ltmp8:
0xb3: {  	[tilespmem:$0x64F0] =	vst v0;
	(pc) =	sbr.rel @p1 .LBB2_12-.Ltmp8, $4  }
0xb4: {  	[tilespmem:s12], [sflag:$0x3] =	stream.indirect.gather [hbm4b:s3+s8], $0x80, s11, s8, $0xb8;
	[tilespmem:$0x1A600] =	vst v63  }
0xb5: {  	_ =	swait.ge [sflag:s23], $0x4000  }
0xb6: {  	[sflag:s23] =	ssyncset.done $0x0  }
0xb7: {  	[sflag:s23] =	ssyncadd.s32 $0xFFFFC000  }
.LBB2_11:
0xb8: {  	_ =	swait.ge [sflag:s24], $0x1000  }
0xb9: {  	[sflag:s24] =	ssyncset.done $0x0  }
0xba: {  	[sflag:s24] =	ssyncadd.s32 $0xFFFFF000  }
.LBB2_12:
.Ltmp9:
0xbb: {  	(pc) =	sbr.rel @!p0 .LBB2_13-.Ltmp9, $3  }
0xbc: {  	_ =	sdelay $0x1  }
0xbd: {  	s7 =	sadd.s32 $0x20, s4  }
0xbe: {  	[hbm4b:s7+s8] =	stream.strided.scatter [tilespmem:s25], [sflag:$0x8], $0x1000, s18, s8, $0x38;
	[tilespmem:$0x1A600] =	vst v63  }
.Ltmp10:
0xbf: {  	(pc) =	sbr.rel .LBB2_15-.Ltmp10, $4  }
0xc0: {  	_ = 	snop  }
0xc1: {  	_ =	swait.ge [sflag:s26], $0x4000  }
0xc2: {  	[sflag:s26] =	ssyncset.done $0x0  }
0xc3: {  	[sflag:s26] =	ssyncadd.s32 $0xFFFFC000  }
.LBB2_13:
0xc4: {  	v0 =	vld [tilespmem:s1+$0xFFFFFF10];
	_ =	sdelay $0x4  }
0xc5: {  	v0 =	vshra.s32 v0, $0x2  }
0xc6: {  	[tilespmem:$0x6500] =	vst v0  }
0xc7: {  	v0 =	vld [tilespmem:s1+$0xFFFFFF20];
	_ =	sdelay $0x4  }
0xc8: {  	v0 =	vshra.s32 v0, $0x2  }
0xc9: {  	[tilespmem:$0x6510] =	vst v0  }
0xca: {  	v0 =	vld [tilespmem:s1+$0xFFFFFF30];
	_ =	sdelay $0x4  }
0xcb: {  	v0 =	vshra.s32 v0, $0x2  }
0xcc: {  	[tilespmem:$0x6520] =	vst v0  }
0xcd: {  	v0 =	vld [tilespmem:s1+$0xFFFFFF40];
	_ =	sdelay $0x4  }
0xce: {  	v0 =	vshra.s32 v0, $0x2  }
0xcf: {  	[tilespmem:$0x6530] =	vst v0  }
0xd0: {  	v0 =	vld [tilespmem:s1+$0xFFFFFF50];
	_ =	sdelay $0x4  }
0xd1: {  	v0 =	vshra.s32 v0, $0x2  }
0xd2: {  	[tilespmem:$0x6540] =	vst v0  }
0xd3: {  	v0 =	vld [tilespmem:s1+$0xFFFFFF60];
	_ =	sdelay $0x4  }
0xd4: {  	v0 =	vshra.s32 v0, $0x2  }
0xd5: {  	[tilespmem:$0x6550] =	vst v0  }
0xd6: {  	v0 =	vld [tilespmem:s1+$0xFFFFFF70];
	_ =	sdelay $0x4  }
0xd7: {  	v0 =	vshra.s32 v0, $0x2  }
0xd8: {  	[tilespmem:$0x6560] =	vst v0  }
0xd9: {  	v0 =	vld [tilespmem:s1+$0xFFFFFF80];
	_ =	sdelay $0x4  }
0xda: {  	v0 =	vshra.s32 v0, $0x2  }
.Ltmp11:
0xdb: {  	[tilespmem:$0x6570] =	vst v0;
	(pc) =	sbr.rel @p1 .LBB2_16-.Ltmp11, $4  }
0xdc: {  	[tilespmem:s14], [sflag:$0x4] =	stream.indirect.gather [hbm4b:s3+s8], $0x80, s13, s8, $0xb8;
	[tilespmem:$0x1A600] =	vst v63  }
0xdd: {  	_ =	swait.ge [sflag:s26], $0x4000  }
0xde: {  	[sflag:s26] =	ssyncset.done $0x0  }
0xdf: {  	[sflag:s26] =	ssyncadd.s32 $0xFFFFC000  }
.LBB2_15:
0xe0: {  	_ =	swait.ge [sflag:s28], $0x1000  }
0xe1: {  	[sflag:s28] =	ssyncset.done $0x0  }
0xe2: {  	[sflag:s28] =	ssyncadd.s32 $0xFFFFF000  }
.LBB2_16:
.Ltmp12:
0xe3: {  	(pc) =	sbr.rel @p0 .LBB2_18-.Ltmp12, $3  }
0xe4: {  	_ =	sdelay $0x1  }
0xe5: {  	s4 =	sadd.s32 $0x30, s4  }
0xe6: {  	[hbm4b:s4+s8] =	stream.strided.scatter [tilespmem:s29], [sflag:$0x9], $0x1000, s18, s8, $0x38;
	[tilespmem:$0x1A600] =	vst v63  }
0xe7: {  	v0 =	vld [tilespmem:s1+$0xFFFFFF90];
	_ =	sdelay $0x4  }
0xe8: {  	v0 =	vshra.s32 v0, $0x2  }
0xe9: {  	[tilespmem:$0x6580] =	vst v0  }
0xea: {  	v0 =	vld [tilespmem:s1+$0xFFFFFFA0];
	_ =	sdelay $0x4  }
0xeb: {  	v0 =	vshra.s32 v0, $0x2  }
0xec: {  	[tilespmem:$0x6590] =	vst v0  }
0xed: {  	v0 =	vld [tilespmem:s1+$0xFFFFFFB0];
	_ =	sdelay $0x4  }
0xee: {  	v0 =	vshra.s32 v0, $0x2  }
0xef: {  	[tilespmem:$0x65A0] =	vst v0  }
0xf0: {  	v0 =	vld [tilespmem:s1+$0xFFFFFFC0];
	_ =	sdelay $0x4  }
0xf1: {  	v0 =	vshra.s32 v0, $0x2  }
0xf2: {  	[tilespmem:$0x65B0] =	vst v0  }
0xf3: {  	v0 =	vld [tilespmem:s1+$0xFFFFFFD0];
	_ =	sdelay $0x4  }
0xf4: {  	v0 =	vshra.s32 v0, $0x2  }
0xf5: {  	[tilespmem:$0x65C0] =	vst v0  }
0xf6: {  	v0 =	vld [tilespmem:s1+$0xFFFFFFE0];
	_ =	sdelay $0x4  }
0xf7: {  	v0 =	vshra.s32 v0, $0x2  }
0xf8: {  	[tilespmem:$0x65D0] =	vst v0  }
0xf9: {  	v0 =	vld [tilespmem:s1+$0xFFFFFFF0];
	_ =	sdelay $0x4  }
0xfa: {  	v0 =	vshra.s32 v0, $0x2  }
0xfb: {  	[tilespmem:$0x65E0] =	vst v0  }
0xfc: {  	v0 =	vld [tilespmem:s1+$0x0];
	_ =	sdelay $0x2  }
.Ltmp13:
0xfd: {  	_ = 	snop;
	(pc) =	sbr.rel .LBB2_4-.Ltmp13, $4  }
0xfe: {  	_ = 	snop  }
0xff: {  	v0 =	vshra.s32 v0, $0x2  }
0x100: {  	s0 =	sadd.s32 $0x10000, s0;
	s1 =	sadd.s32 $0x200, s1;
	[tilespmem:$0x65F0] =	vst v0  }
0x101: {  	[tilespmem:s16], [sflag:$0x5] =	stream.indirect.gather [hbm4b:s3+s8], $0x80, s15, s8, $0xb8;
	[tilespmem:$0x1A600] =	vst v63  }
.LBB2_19:
0x102: {  	_ =	sfence.sel $0x180000  }
0x103: {  	[bflag:$0x0] =	sbarrier.arrive $0xFFFF  }
0x104: {  	_ =	strace $0x90000047  }
0x105: {  	s0 =	stileid.u32;
	[bflag:$0x2] =	sbarrier.arrive $0xFFFF  }
0x106: {  	p0 =	sne.s32 s0, $0x0;
	s0 =	rddreg [dreg:$0x2]  }
0x107: {  	s0 =	sadd.s32 @!p0 $0x100000, s0  }
0x108: {  	[sflag:s0] =	ssyncadd.tile.s32 @!p0 $0x1;
	_ =	shalt  }
.Lfunc_end2:
_tile_overlayer_lowered:
.L_overlay_start_2:
0x109: {  	(tag) =	ssettag $0x2  }
0x10a: {  	s0 =	rddreg [dreg:$0x0];
	s2 =	stileid.u32  }
0x10b: {  	s1 =	rddreg [dreg:$0x1];
	p0 =	sne.s32 s2, $0x0  }
0x10c: {  	s3 =	rddreg [dreg:$0x2];
	[bflag:$0x3] =	sbarrier.arrive $0xFFFF;
	s2 =	simm.s32 @!p0 $0x1C0A  }
0x10d: {  	[timem:s3], [sflag:s2] =	dma.local @!p0 [hbm:s0], s1  }
0x10e: {  	s0 =	simm.s32 @!p0 $0xA  }
0x10f: {  	_ =	swait.ge @!p0 [sflag:s0], s1  }
0x110: {  	s1 =	ssub.s32 @!p0 $0x0, s1;
	[sflag:s0] =	ssyncset.done @!p0 $0x0  }
0x111: {  	[sflag:s0] =	ssyncadd.s32 @!p0 s1  }
0x112: {  	[bflag:$0x3] =	sbarrier.arrive $0xFFFF  }
0x113: {  	_ =	shalt  }

</sc_bundles>
